<compile_context>
chip_gen: v7x
topology: tpu7x:2x2x1
jax: 0.10.2.dev20260603
libtpu: 0.0.44.dev20260713+nightly
codegen_flags: <defaults>
</compile_context>

<pallas_src>
import functools

import jax
import jax.numpy as jnp
from jax import lax
from jax.experimental import pallas as pl
from jax.experimental.pallas import tpu as pltpu
import jax.experimental.pallas.tpu_sc as plsc

NUM_ROWS = 100000
DIM = 4096
TOPK = 32

BLOCK_ROWS = 1024
NUM_BLOCKS = 98
PAD_ROWS = NUM_BLOCKS * BLOCK_ROWS
SUBS = PAD_ROWS // 128

NEG_INF = float("-inf")
BIG = 2 ** 30

NTILES = 16
CHUNK = PAD_ROWS // NTILES
CHUNK_PAD = 6400
NSLICE = CHUNK_PAD // 16
SMAX_PAD = 512
NGROUP = SMAX_PAD // 16
CAND = 48
MERGE = NTILES * CAND
MSLICE = MERGE // 16
MSMAX_PAD = 256

LAST_CHUNK = NUM_ROWS - (NTILES - 1) * CHUNK



def _matvec_kernel(x_ref, w_ref, out_ref):
    i = pl.program_id(0)
    y = lax.dot_general(
        w_ref[...].astype(jnp.bfloat16), x_ref[...].astype(jnp.bfloat16),
        dimension_numbers=(((1,), (0,)), ((), ())),
        preferred_element_type=jnp.float32,
    )
    y2 = y.reshape(BLOCK_ROWS // 128, 128)
    sub = lax.broadcasted_iota(jnp.int32, (BLOCK_ROWS // 128, 128), 0)
    lane = lax.broadcasted_iota(jnp.int32, (BLOCK_ROWS // 128, 128), 1)
    g = i * BLOCK_ROWS + sub * 128 + lane
    out_ref[...] = jnp.where(g < NUM_ROWS, y2, NEG_INF)


def _matvec(x, W):
    return pl.pallas_call(
        _matvec_kernel,
        grid=(NUM_BLOCKS,),
        in_specs=[
            pl.BlockSpec((DIM,), lambda i: (0,)),
            pl.BlockSpec((BLOCK_ROWS, DIM), lambda i: (i, 0)),
        ],
        out_specs=pl.BlockSpec((BLOCK_ROWS // 128, 128), lambda i: (i, 0)),
        out_shape=jax.ShapeDtypeStruct((SUBS, 128), jnp.float32),
    )(x, W)



def _lanes():
    return lax.iota(jnp.int32, 16)


def _splat_i32(v):
    return jnp.broadcast_to(v.astype(jnp.int32), (16,))


def _splat_f32(v):
    return jnp.broadcast_to(v.astype(jnp.float32), (16,))


def _neg16():
    return jnp.full((16,), NEG_INF, jnp.float32)


def _fill(ref, start, n_vregs, value):
    for j in range(n_vregs):
        ref[pl.ds(start + j * 16, 16)] = value


def _build_slice_max(src, dst, n_groups, unroll=1):
    lanes = _lanes()

    def body(j, _):
        base_ids = (j * 16 + lanes) * 16
        m = plsc.load_gather(src, [base_ids])
        for k in range(1, 16):
            m = jnp.maximum(m, plsc.load_gather(src, [base_ids + k]))
        dst[pl.ds(j * 16, 16)] = m
        return 0

    lax.fori_loop(0, n_groups, body, 0, unroll=unroll)


def _select_topk(buf, smax, l2, l2_vregs, n_iter, out_vals, out_inds, ind_of):
    lanes = _lanes()
    lane0 = lanes == 0

    def round_body(t, _):
        vs = [l2[pl.ds(j * 16, 16)] for j in range(l2_vregs)]
        m16 = vs[0]
        for v in vs[1:]:
            m16 = jnp.maximum(m16, v)
        m = jnp.max(m16)
        g_star = plsc.all_reduce_ffs(vs[0] == m)[0]
        for j in range(1, l2_vregs):
            fj = plsc.all_reduce_ffs(vs[j] == m)[0]
            g_star = jnp.where(g_star < 16, g_star, j * 16 + fj)

        vg = smax[pl.ds(g_star * 16, 16)]
        s_loc = plsc.all_reduce_ffs(vg == m)[0]
        s_star = g_star * 16 + s_loc

        vb = buf[pl.ds(s_star * 16, 16)]
        l_loc = plsc.all_reduce_ffs(vb == m)[0]
        flat = s_star * 16 + l_loc

        plsc.store_scatter(out_vals, [_splat_i32(t)], _splat_f32(m),
                           mask=lane0)
        plsc.store_scatter(out_inds, [_splat_i32(t)], ind_of(flat),
                           mask=lane0)

        plsc.store_scatter(buf, [_splat_i32(flat)], _neg16(), mask=lane0)
        new_smax = jnp.max(jnp.where(lanes == l_loc, NEG_INF, vb))
        plsc.store_scatter(smax, [_splat_i32(s_star)],
                           _splat_f32(new_smax), mask=lane0)
        new_l2 = jnp.max(jnp.where(lanes == s_loc, new_smax, vg))
        plsc.store_scatter(l2, [_splat_i32(g_star)],
                           _splat_f32(new_l2), mask=lane0)
        return 0

    lax.fori_loop(0, n_iter, round_body, 0, unroll=False)


def _sc_body(res_hbm, out_hbm, buf, zbuf, smax, l2, lvals, linds,
             mvals, minds, msmax, ml2, shv, shi, sem):
    c = lax.axis_index("c")
    w = lax.axis_index("s")
    base = w * CHUNK

    @pl.when(c == 0)
    def _local():
        cp = pltpu.async_copy(res_hbm.at[pl.ds(base, CHUNK)],
                              buf.at[pl.ds(0, CHUNK)], sem)
        zero16 = jnp.zeros((16,), jnp.float32)

        def zero_body(j, _):
            zbuf[pl.ds(j * 16, 16)] = zero16
            return 0

        lax.fori_loop(0, CHUNK_PAD // 16, zero_body, 0, unroll=8)
        _fill(buf, CHUNK, (CHUNK_PAD - CHUNK) // 16, _neg16())
        _fill(smax, 0, NGROUP, _neg16())
        _fill(l2, 0, NGROUP // 16, _neg16())
        _fill(lvals, 0, CAND // 16, _neg16())
        _fill(linds, 0, CAND // 16, jnp.full((16,), BIG, jnp.int32))
        cp.wait()

        _build_slice_max(buf, smax, NSLICE // 16, unroll=4)
        _build_slice_max(smax, l2, NGROUP // 16)
        _select_topk(buf, smax, l2, NGROUP // 16, TOPK + 1, lvals, linds,
                     lambda flat: _splat_i32(base + flat))

        d1 = pltpu.async_copy(lvals, shv.at[pl.ds(w * CAND, CAND)], sem)
        d2 = pltpu.async_copy(linds, shi.at[pl.ds(w * CAND, CAND)], sem)
        d1.wait()
        d2.wait()

    plsc.subcore_barrier()

    @pl.when(c == 0)
    def _merge_and_scatter():
        d1 = pltpu.async_copy(shv, mvals, sem)
        d2 = pltpu.async_copy(shi, minds, sem)
        _fill(msmax, 0, MSMAX_PAD // 16, _neg16())
        d1.wait()
        d2.wait()

        _build_slice_max(mvals, msmax, MSLICE // 16)
        _build_slice_max(msmax, ml2, 1)
        _select_topk(mvals, msmax, ml2, 1, TOPK + 1,
                     lvals, linds,
                     lambda flat: plsc.load_gather(minds, [_splat_i32(flat)]))

        v0 = lvals[pl.ds(0, 16)][0]
        vlast = lvals[pl.ds(TOPK, 16)][0]
        vlast16 = _splat_f32(vlast)
        inv16 = jnp.full((16,), 1.0, jnp.float32) / _splat_f32(v0 - vlast)

        for b in range(2):
            idx = linds[pl.ds(b * 16, 16)]
            val = (lvals[pl.ds(b * 16, 16)] - vlast16) * inv16
            local = idx - base
            ok = (local >= 0) & (local < CHUNK)
            safe = jnp.minimum(jnp.maximum(local, 0), CHUNK - 1)
            plsc.store_scatter(zbuf, [safe], val, mask=ok)

        @pl.when(w < NTILES - 1)
        def _():
            pltpu.sync_copy(zbuf.at[pl.ds(0, CHUNK)],
                            out_hbm.at[pl.ds(base, CHUNK)])

        @pl.when(w == NTILES - 1)
        def _():
            pltpu.sync_copy(zbuf.at[pl.ds(0, LAST_CHUNK)],
                            out_hbm.at[pl.ds(base, LAST_CHUNK)])


_sc_topk_scatter = functools.partial(
    pl.kernel,
    out_type=jax.ShapeDtypeStruct((NUM_ROWS,), jnp.float32),
    mesh=plsc.VectorSubcoreMesh(core_axis_name="c", subcore_axis_name="s",
                                num_cores=2, num_subcores=NTILES),
    compiler_params=pltpu.CompilerParams(needs_layout_passes=False),
    scratch_types=[
        pltpu.VMEM((CHUNK_PAD,), jnp.float32),
        pltpu.VMEM((CHUNK_PAD,), jnp.float32),
        pltpu.VMEM((SMAX_PAD,), jnp.float32),
        pltpu.VMEM((NGROUP,), jnp.float32),
        pltpu.VMEM((CAND,), jnp.float32),
        pltpu.VMEM((CAND,), jnp.int32),
        pltpu.VMEM((MERGE,), jnp.float32),
        pltpu.VMEM((MERGE,), jnp.int32),
        pltpu.VMEM((MSMAX_PAD,), jnp.float32),
        pltpu.VMEM((16,), jnp.float32),
        pltpu.VMEM_SHARED((MERGE,), jnp.float32),
        pltpu.VMEM_SHARED((MERGE,), jnp.int32),
        pltpu.SemaphoreType.DMA,
    ],
)(_sc_body)


@jax.jit
def kernel(x, W):
    res = _matvec(x, W)
    return _sc_topk_scatter(res.reshape(PAD_ROWS))

# --- scband reference (transcript-rebuilt; emitter-appended) ---
"""Pipeline reference for scband-competition-zone-83434034692099 (READ-ONLY COPY).

The authoritative reference and input builder live on the scoring server;
editing this copy changes nothing except your own understanding.
"""

import jax, jax.numpy as jnp
import numpy as np

NUM_NEURONS = 100000
SIZE = 4096
K = 32

def setup_inputs(seed: int = 0) -> dict:
    key = jax.random.key(seed)
    k1, k2 = jax.random.split(key)
    x = jax.random.normal(k1, (SIZE,), dtype=jnp.float32)
    # nn.Linear(size, num_neurons, bias=False) weight: [num_neurons, size]
    W = jax.random.normal(k2, (NUM_NEURONS, SIZE), dtype=jnp.float32) * (1.0 / np.sqrt(SIZE))
    return {"x": x, "W": W}

def reference(x, W):
    # x = torch.flatten(x)
    xf = jnp.ravel(x)
    # res = self.layer(x)  -> W @ x
    res = W @ xf
    # vals, inds = torch.topk(res, k+1, sorted=True)
    vals, inds = jax.lax.top_k(res, K + 1)
    # scale_response: responses = zeros_like(res); responses[inds[:-1]] = (vals[:-1]-vals[-1])/(vals[0]-vals[-1])
    scaled = (vals[:-1] - vals[-1]) / (vals[0] - vals[-1])
    responses = jnp.zeros_like(res).at[inds[:-1]].set(scaled)
    # weight update is a stateful side effect that does not change the returned
    # responses for this call; equivalent to frozen=True for the pure forward output.
    return responses

if __name__ == "__main__":
    import jax
    _d = setup_inputs()
    print(jax.jit(kernel)(*tuple(_d.values())))

</pallas_src>

<mosaic_0001>
#map = affine_map<(d0, d1) -> (0)>
module attributes {stable_mosaic.version = 14 : i64} {
  func.func @_sc_body(%arg0: i32, %arg1: i32, %arg2: memref<100352xf32, #tpu.memory_space<hbm>>, %arg3: memref<100000xf32, #tpu.memory_space<hbm>>, %arg4: memref<6400xf32, #tpu.memory_space<vmem>>, %arg5: memref<6400xf32, #tpu.memory_space<vmem>>, %arg6: memref<512xf32, #tpu.memory_space<vmem>>, %arg7: memref<32xf32, #tpu.memory_space<vmem>>, %arg8: memref<48xf32, #tpu.memory_space<vmem>>, %arg9: memref<48xi32, #tpu.memory_space<vmem>>, %arg10: memref<768xf32, #tpu.memory_space<vmem>>, %arg11: memref<768xi32, #tpu.memory_space<vmem>>, %arg12: memref<256xf32, #tpu.memory_space<vmem>>, %arg13: memref<16xf32, #tpu.memory_space<vmem>>, %arg14: memref<768xf32, #tpu.memory_space<vmem_shared>>, %arg15: memref<768xi32, #tpu.memory_space<vmem_shared>>, %arg16: memref<!tpu.dma_semaphore, #tpu.memory_space<semaphore_mem>>) attributes {dimension_semantics = [#tpu.dimension_semantics<core_parallel>, #tpu.dimension_semantics<subcore_parallel>], iteration_bounds = array<i64: 2, 16>, scalar_prefetch = 0 : i64, scratch_operands = 13 : i64, tpu.core_type = #tpu.core_type<sc_vector_subcore>, window_params = [{transform_indices = #map}, {transform_indices = #map}]} {
    %mul3A = arith.constant 6272 : i32
    %mul3A_0 = arith.muli %arg1, %mul3A : i32
    %eq3A = arith.constant 0 : i32
    %eq3A_1 = arith.cmpi eq, %arg0, %eq3A : i32
    %convert_element_type3A = arith.extui %eq3A_1 : i1 to i32
    %cond3A = arith.constant 0 : i32
    %cond3A_2 = arith.cmpi ne, %convert_element_type3A, %cond3A : i32
    scf.if %cond3A_2 {
      %dma_start3A = arith.constant 0 : i32
      %dma_start3A_8 = tpu.memref_slice %arg4[%dma_start3A] : memref<6400xf32, #tpu.memory_space<vmem>> -> memref<6272xf32, #tpu.memory_space<vmem>>
      %dma_start3A_9 = tpu.memref_slice %arg2[%mul3A_0] : memref<100352xf32, #tpu.memory_space<hbm>> -> memref<6272xf32, #tpu.memory_space<hbm>>
      %dma_start3A_10 = arith.constant 0 : i32
      %dma_start3A_11 = tpu.memref_slice %arg4[%dma_start3A_10] : memref<6400xf32, #tpu.memory_space<vmem>> -> memref<6272xf32, #tpu.memory_space<vmem>>
      %dma_start3A_12 = tpu.memref_slice %arg2[%mul3A_0] : memref<100352xf32, #tpu.memory_space<hbm>> -> memref<6272xf32, #tpu.memory_space<hbm>>
      tpu.enqueue_dma source(%dma_start3A_12 : memref<6272xf32, #tpu.memory_space<hbm>>) target(%dma_start3A_11 : memref<6272xf32, #tpu.memory_space<vmem>>) target_semaphore(%arg16 : memref<!tpu.dma_semaphore, #tpu.memory_space<semaphore_mem>>)
      %broadcast_in_dim3A = arith.constant 0.000000e+00 : f32
      %broadcast_in_dim3A_13 = vector.broadcast %broadcast_in_dim3A : f32 to vector<16xf32>
      %scan3A = arith.constant 0 : i32
      %scan3A_14 = arith.constant 0 : i32
      %scan3A_15 = arith.constant 400 : i32
      %scan3A_16 = arith.addi %scan3A_14, %scan3A_15 : i32
      %scan3A_17 = arith.constant 8 : i32
      %scan3A_18 = scf.for %scan3A_255 = %scan3A_14 to %scan3A_16 step %scan3A_17 iter_args(%scan3A_256 = %scan3A) -> (i32)  : i32 {
        %mul3A_257 = arith.constant 16 : i32
        %mul3A_258 = arith.muli %scan3A_255, %mul3A_257 : i32
        %swap3A_259 = arith.index_cast %mul3A_258 : i32 to index
        %swap3A_260 = tpu.vector_load %arg5[%swap3A_259] {strides = array<i32>} : memref<6400xf32, #tpu.memory_space<vmem>>, vector<16xf32>,
        tpu.vector_store %arg5[%swap3A_259], %broadcast_in_dim3A_13 {strides = array<i32>} : memref<6400xf32, #tpu.memory_space<vmem>>, vector<16xf32>,
        %scan3A_261 = arith.constant 0 : i32
        %scan3A_262 = arith.constant 1 : i32
        %scan3A_263 = arith.addi %scan3A_255, %scan3A_262 : i32
        %mul3A_264 = arith.constant 16 : i32
        %mul3A_265 = arith.muli %scan3A_263, %mul3A_264 : i32
        %swap3A_266 = arith.index_cast %mul3A_265 : i32 to index
        %swap3A_267 = tpu.vector_load %arg5[%swap3A_266] {strides = array<i32>} : memref<6400xf32, #tpu.memory_space<vmem>>, vector<16xf32>,
        tpu.vector_store %arg5[%swap3A_266], %broadcast_in_dim3A_13 {strides = array<i32>} : memref<6400xf32, #tpu.memory_space<vmem>>, vector<16xf32>,
        %scan3A_268 = arith.constant 0 : i32
        %scan3A_269 = arith.constant 2 : i32
        %scan3A_270 = arith.addi %scan3A_255, %scan3A_269 : i32
        %mul3A_271 = arith.constant 16 : i32
        %mul3A_272 = arith.muli %scan3A_270, %mul3A_271 : i32
        %swap3A_273 = arith.index_cast %mul3A_272 : i32 to index
        %swap3A_274 = tpu.vector_load %arg5[%swap3A_273] {strides = array<i32>} : memref<6400xf32, #tpu.memory_space<vmem>>, vector<16xf32>,
        tpu.vector_store %arg5[%swap3A_273], %broadcast_in_dim3A_13 {strides = array<i32>} : memref<6400xf32, #tpu.memory_space<vmem>>, vector<16xf32>,
        %scan3A_275 = arith.constant 0 : i32
        %scan3A_276 = arith.constant 3 : i32
        %scan3A_277 = arith.addi %scan3A_255, %scan3A_276 : i32
        %mul3A_278 = arith.constant 16 : i32
        %mul3A_279 = arith.muli %scan3A_277, %mul3A_278 : i32
        %swap3A_280 = arith.index_cast %mul3A_279 : i32 to index
        %swap3A_281 = tpu.vector_load %arg5[%swap3A_280] {strides = array<i32>} : memref<6400xf32, #tpu.memory_space<vmem>>, vector<16xf32>,
        tpu.vector_store %arg5[%swap3A_280], %broadcast_in_dim3A_13 {strides = array<i32>} : memref<6400xf32, #tpu.memory_space<vmem>>, vector<16xf32>,
        %scan3A_282 = arith.constant 0 : i32
        %scan3A_283 = arith.constant 4 : i32
        %scan3A_284 = arith.addi %scan3A_255, %scan3A_283 : i32
        %mul3A_285 = arith.constant 16 : i32
        %mul3A_286 = arith.muli %scan3A_284, %mul3A_285 : i32
        %swap3A_287 = arith.index_cast %mul3A_286 : i32 to index
        %swap3A_288 = tpu.vector_load %arg5[%swap3A_287] {strides = array<i32>} : memref<6400xf32, #tpu.memory_space<vmem>>, vector<16xf32>,
        tpu.vector_store %arg5[%swap3A_287], %broadcast_in_dim3A_13 {strides = array<i32>} : memref<6400xf32, #tpu.memory_space<vmem>>, vector<16xf32>,
        %scan3A_289 = arith.constant 0 : i32
        %scan3A_290 = arith.constant 5 : i32
        %scan3A_291 = arith.addi %scan3A_255, %scan3A_290 : i32
        %mul3A_292 = arith.constant 16 : i32
        %mul3A_293 = arith.muli %scan3A_291, %mul3A_292 : i32
        %swap3A_294 = arith.index_cast %mul3A_293 : i32 to index
        %swap3A_295 = tpu.vector_load %arg5[%swap3A_294] {strides = array<i32>} : memref<6400xf32, #tpu.memory_space<vmem>>, vector<16xf32>,
        tpu.vector_store %arg5[%swap3A_294], %broadcast_in_dim3A_13 {strides = array<i32>} : memref<6400xf32, #tpu.memory_space<vmem>>, vector<16xf32>,
        %scan3A_296 = arith.constant 0 : i32
        %scan3A_297 = arith.constant 6 : i32
        %scan3A_298 = arith.addi %scan3A_255, %scan3A_297 : i32
        %mul3A_299 = arith.constant 16 : i32
        %mul3A_300 = arith.muli %scan3A_298, %mul3A_299 : i32
        %swap3A_301 = arith.index_cast %mul3A_300 : i32 to index
        %swap3A_302 = tpu.vector_load %arg5[%swap3A_301] {strides = array<i32>} : memref<6400xf32, #tpu.memory_space<vmem>>, vector<16xf32>,
        tpu.vector_store %arg5[%swap3A_301], %broadcast_in_dim3A_13 {strides = array<i32>} : memref<6400xf32, #tpu.memory_space<vmem>>, vector<16xf32>,
        %scan3A_303 = arith.constant 0 : i32
        %scan3A_304 = arith.constant 7 : i32
        %scan3A_305 = arith.addi %scan3A_255, %scan3A_304 : i32
        %mul3A_306 = arith.constant 16 : i32
        %mul3A_307 = arith.muli %scan3A_305, %mul3A_306 : i32
        %swap3A_308 = arith.index_cast %mul3A_307 : i32 to index
        %swap3A_309 = tpu.vector_load %arg5[%swap3A_308] {strides = array<i32>} : memref<6400xf32, #tpu.memory_space<vmem>>, vector<16xf32>,
        tpu.vector_store %arg5[%swap3A_308], %broadcast_in_dim3A_13 {strides = array<i32>} : memref<6400xf32, #tpu.memory_space<vmem>>, vector<16xf32>,
        %scan3A_310 = arith.constant 0 : i32
        scf.yield %scan3A_310 : i32
      }
      %scan3A_19 = arith.constant 400 : i32
      %broadcast_in_dim3A_20 = arith.constant 0xFF800000 : f32
      %broadcast_in_dim3A_21 = vector.broadcast %broadcast_in_dim3A_20 : f32 to vector<16xf32>
      %swap3A = arith.constant 6272 : index
      %swap3A_22 = tpu.vector_load %arg4[%swap3A] {strides = array<i32>} : memref<6400xf32, #tpu.memory_space<vmem>>, vector<16xf32>,
      tpu.vector_store %arg4[%swap3A], %broadcast_in_dim3A_21 {strides = array<i32>} : memref<6400xf32, #tpu.memory_space<vmem>>, vector<16xf32>,
      %swap3A_23 = arith.constant 6288 : index
      %swap3A_24 = tpu.vector_load %arg4[%swap3A_23] {strides = array<i32>} : memref<6400xf32, #tpu.memory_space<vmem>>, vector<16xf32>,
      tpu.vector_store %arg4[%swap3A_23], %broadcast_in_dim3A_21 {strides = array<i32>} : memref<6400xf32, #tpu.memory_space<vmem>>, vector<16xf32>,
      %swap3A_25 = arith.constant 6304 : index
      %swap3A_26 = tpu.vector_load %arg4[%swap3A_25] {strides = array<i32>} : memref<6400xf32, #tpu.memory_space<vmem>>, vector<16xf32>,
      tpu.vector_store %arg4[%swap3A_25], %broadcast_in_dim3A_21 {strides = array<i32>} : memref<6400xf32, #tpu.memory_space<vmem>>, vector<16xf32>,
      %swap3A_27 = arith.constant 6320 : index
      %swap3A_28 = tpu.vector_load %arg4[%swap3A_27] {strides = array<i32>} : memref<6400xf32, #tpu.memory_space<vmem>>, vector<16xf32>,
      tpu.vector_store %arg4[%swap3A_27], %broadcast_in_dim3A_21 {strides = array<i32>} : memref<6400xf32, #tpu.memory_space<vmem>>, vector<16xf32>,
      %swap3A_29 = arith.constant 6336 : index
      %swap3A_30 = tpu.vector_load %arg4[%swap3A_29] {strides = array<i32>} : memref<6400xf32, #tpu.memory_space<vmem>>, vector<16xf32>,
      tpu.vector_store %arg4[%swap3A_29], %broadcast_in_dim3A_21 {strides = array<i32>} : memref<6400xf32, #tpu.memory_space<vmem>>, vector<16xf32>,
      %swap3A_31 = arith.constant 6352 : index
      %swap3A_32 = tpu.vector_load %arg4[%swap3A_31] {strides = array<i32>} : memref<6400xf32, #tpu.memory_space<vmem>>, vector<16xf32>,
      tpu.vector_store %arg4[%swap3A_31], %broadcast_in_dim3A_21 {strides = array<i32>} : memref<6400xf32, #tpu.memory_space<vmem>>, vector<16xf32>,
      %swap3A_33 = arith.constant 6368 : index
      %swap3A_34 = tpu.vector_load %arg4[%swap3A_33] {strides = array<i32>} : memref<6400xf32, #tpu.memory_space<vmem>>, vector<16xf32>,
      tpu.vector_store %arg4[%swap3A_33], %broadcast_in_dim3A_21 {strides = array<i32>} : memref<6400xf32, #tpu.memory_space<vmem>>, vector<16xf32>,
      %swap3A_35 = arith.constant 6384 : index
      %swap3A_36 = tpu.vector_load %arg4[%swap3A_35] {strides = array<i32>} : memref<6400xf32, #tpu.memory_space<vmem>>, vector<16xf32>,
      tpu.vector_store %arg4[%swap3A_35], %broadcast_in_dim3A_21 {strides = array<i32>} : memref<6400xf32, #tpu.memory_space<vmem>>, vector<16xf32>,
      %broadcast_in_dim3A_37 = arith.constant 0xFF800000 : f32
      %broadcast_in_dim3A_38 = vector.broadcast %broadcast_in_dim3A_37 : f32 to vector<16xf32>
      %swap3A_39 = arith.constant 0 : index
      %swap3A_40 = tpu.vector_load %arg6[%swap3A_39] {strides = array<i32>} : memref<512xf32, #tpu.memory_space<vmem>>, vector<16xf32>,
      tpu.vector_store %arg6[%swap3A_39], %broadcast_in_dim3A_38 {strides = array<i32>} : memref<512xf32, #tpu.memory_space<vmem>>, vector<16xf32>,
      %swap3A_41 = arith.constant 16 : index
      %swap3A_42 = tpu.vector_load %arg6[%swap3A_41] {strides = array<i32>} : memref<512xf32, #tpu.memory_space<vmem>>, vector<16xf32>,
      tpu.vector_store %arg6[%swap3A_41], %broadcast_in_dim3A_38 {strides = array<i32>} : memref<512xf32, #tpu.memory_space<vmem>>, vector<16xf32>,
      %swap3A_43 = arith.constant 32 : index
      %swap3A_44 = tpu.vector_load %arg6[%swap3A_43] {strides = array<i32>} : memref<512xf32, #tpu.memory_space<vmem>>, vector<16xf32>,
      tpu.vector_store %arg6[%swap3A_43], %broadcast_in_dim3A_38 {strides = array<i32>} : memref<512xf32, #tpu.memory_space<vmem>>, vector<16xf32>,
      %swap3A_45 = arith.constant 48 : index
      %swap3A_46 = tpu.vector_load %arg6[%swap3A_45] {strides = array<i32>} : memref<512xf32, #tpu.memory_space<vmem>>, vector<16xf32>,
      tpu.vector_store %arg6[%swap3A_45], %broadcast_in_dim3A_38 {strides = array<i32>} : memref<512xf32, #tpu.memory_space<vmem>>, vector<16xf32>,
      %swap3A_47 = arith.constant 64 : index
      %swap3A_48 = tpu.vector_load %arg6[%swap3A_47] {strides = array<i32>} : memref<512xf32, #tpu.memory_space<vmem>>, vector<16xf32>,
      tpu.vector_store %arg6[%swap3A_47], %broadcast_in_dim3A_38 {strides = array<i32>} : memref<512xf32, #tpu.memory_space<vmem>>, vector<16xf32>,
      %swap3A_49 = arith.constant 80 : index
      %swap3A_50 = tpu.vector_load %arg6[%swap3A_49] {strides = array<i32>} : memref<512xf32, #tpu.memory_space<vmem>>, vector<16xf32>,
      tpu.vector_store %arg6[%swap3A_49], %broadcast_in_dim3A_38 {strides = array<i32>} : memref<512xf32, #tpu.memory_space<vmem>>, vector<16xf32>,
      %swap3A_51 = arith.constant 96 : index
      %swap3A_52 = tpu.vector_load %arg6[%swap3A_51] {strides = array<i32>} : memref<512xf32, #tpu.memory_space<vmem>>, vector<16xf32>,
      tpu.vector_store %arg6[%swap3A_51], %broadcast_in_dim3A_38 {strides = array<i32>} : memref<512xf32, #tpu.memory_space<vmem>>, vector<16xf32>,
      %swap3A_53 = arith.constant 112 : index
      %swap3A_54 = tpu.vector_load %arg6[%swap3A_53] {strides = array<i32>} : memref<512xf32, #tpu.memory_space<vmem>>, vector<16xf32>,
      tpu.vector_store %arg6[%swap3A_53], %broadcast_in_dim3A_38 {strides = array<i32>} : memref<512xf32, #tpu.memory_space<vmem>>, vector<16xf32>,
      %swap3A_55 = arith.constant 128 : index
      %swap3A_56 = tpu.vector_load %arg6[%swap3A_55] {strides = array<i32>} : memref<512xf32, #tpu.memory_space<vmem>>, vector<16xf32>,
      tpu.vector_store %arg6[%swap3A_55], %broadcast_in_dim3A_38 {strides = array<i32>} : memref<512xf32, #tpu.memory_space<vmem>>, vector<16xf32>,
      %swap3A_57 = arith.constant 144 : index
      %swap3A_58 = tpu.vector_load %arg6[%swap3A_57] {strides = array<i32>} : memref<512xf32, #tpu.memory_space<vmem>>, vector<16xf32>,
      tpu.vector_store %arg6[%swap3A_57], %broadcast_in_dim3A_38 {strides = array<i32>} : memref<512xf32, #tpu.memory_space<vmem>>, vector<16xf32>,
      %swap3A_59 = arith.constant 160 : index
      %swap3A_60 = tpu.vector_load %arg6[%swap3A_59] {strides = array<i32>} : memref<512xf32, #tpu.memory_space<vmem>>, vector<16xf32>,
      tpu.vector_store %arg6[%swap3A_59], %broadcast_in_dim3A_38 {strides = array<i32>} : memref<512xf32, #tpu.memory_space<vmem>>, vector<16xf32>,
      %swap3A_61 = arith.constant 176 : index
      %swap3A_62 = tpu.vector_load %arg6[%swap3A_61] {strides = array<i32>} : memref<512xf32, #tpu.memory_space<vmem>>, vector<16xf32>,
      tpu.vector_store %arg6[%swap3A_61], %broadcast_in_dim3A_38 {strides = array<i32>} : memref<512xf32, #tpu.memory_space<vmem>>, vector<16xf32>,
      %swap3A_63 = arith.constant 192 : index
      %swap3A_64 = tpu.vector_load %arg6[%swap3A_63] {strides = array<i32>} : memref<512xf32, #tpu.memory_space<vmem>>, vector<16xf32>,
      tpu.vector_store %arg6[%swap3A_63], %broadcast_in_dim3A_38 {strides = array<i32>} : memref<512xf32, #tpu.memory_space<vmem>>, vector<16xf32>,
      %swap3A_65 = arith.constant 208 : index
      %swap3A_66 = tpu.vector_load %arg6[%swap3A_65] {strides = array<i32>} : memref<512xf32, #tpu.memory_space<vmem>>, vector<16xf32>,
      tpu.vector_store %arg6[%swap3A_65], %broadcast_in_dim3A_38 {strides = array<i32>} : memref<512xf32, #tpu.memory_space<vmem>>, vector<16xf32>,
      %swap3A_67 = arith.constant 224 : index
      %swap3A_68 = tpu.vector_load %arg6[%swap3A_67] {strides = array<i32>} : memref<512xf32, #tpu.memory_space<vmem>>, vector<16xf32>,
      tpu.vector_store %arg6[%swap3A_67], %broadcast_in_dim3A_38 {strides = array<i32>} : memref<512xf32, #tpu.memory_space<vmem>>, vector<16xf32>,
      %swap3A_69 = arith.constant 240 : index
      %swap3A_70 = tpu.vector_load %arg6[%swap3A_69] {strides = array<i32>} : memref<512xf32, #tpu.memory_space<vmem>>, vector<16xf32>,
      tpu.vector_store %arg6[%swap3A_69], %broadcast_in_dim3A_38 {strides = array<i32>} : memref<512xf32, #tpu.memory_space<vmem>>, vector<16xf32>,
      %swap3A_71 = arith.constant 256 : index
      %swap3A_72 = tpu.vector_load %arg6[%swap3A_71] {strides = array<i32>} : memref<512xf32, #tpu.memory_space<vmem>>, vector<16xf32>,
      tpu.vector_store %arg6[%swap3A_71], %broadcast_in_dim3A_38 {strides = array<i32>} : memref<512xf32, #tpu.memory_space<vmem>>, vector<16xf32>,
      %swap3A_73 = arith.constant 272 : index
      %swap3A_74 = tpu.vector_load %arg6[%swap3A_73] {strides = array<i32>} : memref<512xf32, #tpu.memory_space<vmem>>, vector<16xf32>,
      tpu.vector_store %arg6[%swap3A_73], %broadcast_in_dim3A_38 {strides = array<i32>} : memref<512xf32, #tpu.memory_space<vmem>>, vector<16xf32>,
      %swap3A_75 = arith.constant 288 : index
      %swap3A_76 = tpu.vector_load %arg6[%swap3A_75] {strides = array<i32>} : memref<512xf32, #tpu.memory_space<vmem>>, vector<16xf32>,
      tpu.vector_store %arg6[%swap3A_75], %broadcast_in_dim3A_38 {strides = array<i32>} : memref<512xf32, #tpu.memory_space<vmem>>, vector<16xf32>,
      %swap3A_77 = arith.constant 304 : index
      %swap3A_78 = tpu.vector_load %arg6[%swap3A_77] {strides = array<i32>} : memref<512xf32, #tpu.memory_space<vmem>>, vector<16xf32>,
      tpu.vector_store %arg6[%swap3A_77], %broadcast_in_dim3A_38 {strides = array<i32>} : memref<512xf32, #tpu.memory_space<vmem>>, vector<16xf32>,
      %swap3A_79 = arith.constant 320 : index
      %swap3A_80 = tpu.vector_load %arg6[%swap3A_79] {strides = array<i32>} : memref<512xf32, #tpu.memory_space<vmem>>, vector<16xf32>,
      tpu.vector_store %arg6[%swap3A_79], %broadcast_in_dim3A_38 {strides = array<i32>} : memref<512xf32, #tpu.memory_space<vmem>>, vector<16xf32>,
      %swap3A_81 = arith.constant 336 : index
      %swap3A_82 = tpu.vector_load %arg6[%swap3A_81] {strides = array<i32>} : memref<512xf32, #tpu.memory_space<vmem>>, vector<16xf32>,
      tpu.vector_store %arg6[%swap3A_81], %broadcast_in_dim3A_38 {strides = array<i32>} : memref<512xf32, #tpu.memory_space<vmem>>, vector<16xf32>,
      %swap3A_83 = arith.constant 352 : index
      %swap3A_84 = tpu.vector_load %arg6[%swap3A_83] {strides = array<i32>} : memref<512xf32, #tpu.memory_space<vmem>>, vector<16xf32>,
      tpu.vector_store %arg6[%swap3A_83], %broadcast_in_dim3A_38 {strides = array<i32>} : memref<512xf32, #tpu.memory_space<vmem>>, vector<16xf32>,
      %swap3A_85 = arith.constant 368 : index
      %swap3A_86 = tpu.vector_load %arg6[%swap3A_85] {strides = array<i32>} : memref<512xf32, #tpu.memory_space<vmem>>, vector<16xf32>,
      tpu.vector_store %arg6[%swap3A_85], %broadcast_in_dim3A_38 {strides = array<i32>} : memref<512xf32, #tpu.memory_space<vmem>>, vector<16xf32>,
      %swap3A_87 = arith.constant 384 : index
      %swap3A_88 = tpu.vector_load %arg6[%swap3A_87] {strides = array<i32>} : memref<512xf32, #tpu.memory_space<vmem>>, vector<16xf32>,
      tpu.vector_store %arg6[%swap3A_87], %broadcast_in_dim3A_38 {strides = array<i32>} : memref<512xf32, #tpu.memory_space<vmem>>, vector<16xf32>,
      %swap3A_89 = arith.constant 400 : index
      %swap3A_90 = tpu.vector_load %arg6[%swap3A_89] {strides = array<i32>} : memref<512xf32, #tpu.memory_space<vmem>>, vector<16xf32>,
      tpu.vector_store %arg6[%swap3A_89], %broadcast_in_dim3A_38 {strides = array<i32>} : memref<512xf32, #tpu.memory_space<vmem>>, vector<16xf32>,
      %swap3A_91 = arith.constant 416 : index
      %swap3A_92 = tpu.vector_load %arg6[%swap3A_91] {strides = array<i32>} : memref<512xf32, #tpu.memory_space<vmem>>, vector<16xf32>,
      tpu.vector_store %arg6[%swap3A_91], %broadcast_in_dim3A_38 {strides = array<i32>} : memref<512xf32, #tpu.memory_space<vmem>>, vector<16xf32>,
      %swap3A_93 = arith.constant 432 : index
      %swap3A_94 = tpu.vector_load %arg6[%swap3A_93] {strides = array<i32>} : memref<512xf32, #tpu.memory_space<vmem>>, vector<16xf32>,
      tpu.vector_store %arg6[%swap3A_93], %broadcast_in_dim3A_38 {strides = array<i32>} : memref<512xf32, #tpu.memory_space<vmem>>, vector<16xf32>,
      %swap3A_95 = arith.constant 448 : index
      %swap3A_96 = tpu.vector_load %arg6[%swap3A_95] {strides = array<i32>} : memref<512xf32, #tpu.memory_space<vmem>>, vector<16xf32>,
      tpu.vector_store %arg6[%swap3A_95], %broadcast_in_dim3A_38 {strides = array<i32>} : memref<512xf32, #tpu.memory_space<vmem>>, vector<16xf32>,
      %swap3A_97 = arith.constant 464 : index
      %swap3A_98 = tpu.vector_load %arg6[%swap3A_97] {strides = array<i32>} : memref<512xf32, #tpu.memory_space<vmem>>, vector<16xf32>,
      tpu.vector_store %arg6[%swap3A_97], %broadcast_in_dim3A_38 {strides = array<i32>} : memref<512xf32, #tpu.memory_space<vmem>>, vector<16xf32>,
      %swap3A_99 = arith.constant 480 : index
      %swap3A_100 = tpu.vector_load %arg6[%swap3A_99] {strides = array<i32>} : memref<512xf32, #tpu.memory_space<vmem>>, vector<16xf32>,
      tpu.vector_store %arg6[%swap3A_99], %broadcast_in_dim3A_38 {strides = array<i32>} : memref<512xf32, #tpu.memory_space<vmem>>, vector<16xf32>,
      %swap3A_101 = arith.constant 496 : index
      %swap3A_102 = tpu.vector_load %arg6[%swap3A_101] {strides = array<i32>} : memref<512xf32, #tpu.memory_space<vmem>>, vector<16xf32>,
      tpu.vector_store %arg6[%swap3A_101], %broadcast_in_dim3A_38 {strides = array<i32>} : memref<512xf32, #tpu.memory_space<vmem>>, vector<16xf32>,
      %broadcast_in_dim3A_103 = arith.constant 0xFF800000 : f32
      %broadcast_in_dim3A_104 = vector.broadcast %broadcast_in_dim3A_103 : f32 to vector<16xf32>
      %swap3A_105 = arith.constant 0 : index
      %swap3A_106 = tpu.vector_load %arg7[%swap3A_105] {strides = array<i32>} : memref<32xf32, #tpu.memory_space<vmem>>, vector<16xf32>,
      tpu.vector_store %arg7[%swap3A_105], %broadcast_in_dim3A_104 {strides = array<i32>} : memref<32xf32, #tpu.memory_space<vmem>>, vector<16xf32>,
      %swap3A_107 = arith.constant 16 : index
      %swap3A_108 = tpu.vector_load %arg7[%swap3A_107] {strides = array<i32>} : memref<32xf32, #tpu.memory_space<vmem>>, vector<16xf32>,
      tpu.vector_store %arg7[%swap3A_107], %broadcast_in_dim3A_104 {strides = array<i32>} : memref<32xf32, #tpu.memory_space<vmem>>, vector<16xf32>,
      %broadcast_in_dim3A_109 = arith.constant 0xFF800000 : f32
      %broadcast_in_dim3A_110 = vector.broadcast %broadcast_in_dim3A_109 : f32 to vector<16xf32>
      %swap3A_111 = arith.constant 0 : index
      %swap3A_112 = tpu.vector_load %arg8[%swap3A_111] {strides = array<i32>} : memref<48xf32, #tpu.memory_space<vmem>>, vector<16xf32>,
      tpu.vector_store %arg8[%swap3A_111], %broadcast_in_dim3A_110 {strides = array<i32>} : memref<48xf32, #tpu.memory_space<vmem>>, vector<16xf32>,
      %swap3A_113 = arith.constant 16 : index
      %swap3A_114 = tpu.vector_load %arg8[%swap3A_113] {strides = array<i32>} : memref<48xf32, #tpu.memory_space<vmem>>, vector<16xf32>,
      tpu.vector_store %arg8[%swap3A_113], %broadcast_in_dim3A_110 {strides = array<i32>} : memref<48xf32, #tpu.memory_space<vmem>>, vector<16xf32>,
      %swap3A_115 = arith.constant 32 : index
      %swap3A_116 = tpu.vector_load %arg8[%swap3A_115] {strides = array<i32>} : memref<48xf32, #tpu.memory_space<vmem>>, vector<16xf32>,
      tpu.vector_store %arg8[%swap3A_115], %broadcast_in_dim3A_110 {strides = array<i32>} : memref<48xf32, #tpu.memory_space<vmem>>, vector<16xf32>,
      %broadcast_in_dim3A_117 = arith.constant 1073741824 : i32
      %broadcast_in_dim3A_118 = vector.broadcast %broadcast_in_dim3A_117 : i32 to vector<16xi32>
      %swap3A_119 = arith.constant 0 : index
      %swap3A_120 = tpu.vector_load %arg9[%swap3A_119] {strides = array<i32>} : memref<48xi32, #tpu.memory_space<vmem>>, vector<16xi32>,
      tpu.vector_store %arg9[%swap3A_119], %broadcast_in_dim3A_118 {strides = array<i32>} : memref<48xi32, #tpu.memory_space<vmem>>, vector<16xi32>,
      %swap3A_121 = arith.constant 16 : index
      %swap3A_122 = tpu.vector_load %arg9[%swap3A_121] {strides = array<i32>} : memref<48xi32, #tpu.memory_space<vmem>>, vector<16xi32>,
      tpu.vector_store %arg9[%swap3A_121], %broadcast_in_dim3A_118 {strides = array<i32>} : memref<48xi32, #tpu.memory_space<vmem>>, vector<16xi32>,
      %swap3A_123 = arith.constant 32 : index
      %swap3A_124 = tpu.vector_load %arg9[%swap3A_123] {strides = array<i32>} : memref<48xi32, #tpu.memory_space<vmem>>, vector<16xi32>,
      tpu.vector_store %arg9[%swap3A_123], %broadcast_in_dim3A_118 {strides = array<i32>} : memref<48xi32, #tpu.memory_space<vmem>>, vector<16xi32>,
      %dma_wait3A = arith.constant 0 : i32
      %dma_wait3A_125 = tpu.memref_slice %arg4[%dma_wait3A] : memref<6400xf32, #tpu.memory_space<vmem>> -> memref<6272xf32, #tpu.memory_space<vmem>>
      %dma_wait3A_126 = tpu.memref_slice %arg2[%mul3A_0] : memref<100352xf32, #tpu.memory_space<hbm>> -> memref<6272xf32, #tpu.memory_space<hbm>>
      %dma_wait3A_127 = arith.constant 0 : i32
      %dma_wait3A_128 = tpu.memref_slice %arg4[%dma_wait3A_127] : memref<6400xf32, #tpu.memory_space<vmem>> -> memref<6272xf32, #tpu.memory_space<vmem>>
      %dma_wait3A_129 = tpu.memref_slice %arg2[%mul3A_0] : memref<100352xf32, #tpu.memory_space<hbm>> -> memref<6272xf32, #tpu.memory_space<hbm>>
      tpu.wait_dma2 semaphore(%arg16 : memref<!tpu.dma_semaphore, #tpu.memory_space<semaphore_mem>>) src(%dma_wait3A_129 : memref<6272xf32, #tpu.memory_space<hbm>>) dst(%dma_wait3A_128 : memref<6272xf32, #tpu.memory_space<vmem>>)
      %iota3A = tpu.iota {dimensions = array<i32: 0>} : vector<16xi32>
      %scan3A_130 = arith.constant 0 : i32
      %scan3A_131 = arith.constant 0 : i32
      %scan3A_132 = arith.constant 24 : i32
      %scan3A_133 = arith.addi %scan3A_131, %scan3A_132 : i32
      %scan3A_134 = arith.constant 4 : i32
      %scan3A_135 = scf.for %scan3A_255 = %scan3A_131 to %scan3A_133 step %scan3A_134 iter_args(%scan3A_256 = %scan3A_130) -> (i32)  : i32 {
        %mul3A_257 = arith.constant 16 : i32
        %mul3A_258 = arith.muli %scan3A_255, %mul3A_257 : i32
        %add3A_259 = vector.broadcast %mul3A_258 : i32 to vector<16xi32>
        %add3A_260 = arith.addi %add3A_259, %iota3A : vector<16xi32>
        %mul3A_261 = arith.constant 16 : i32
        %mul3A_262 = vector.broadcast %mul3A_261 : i32 to vector<16xi32>
        %mul3A_263 = arith.muli %add3A_260, %mul3A_262 : vector<16xi32>
        %gather3A_264 = tpu.vector_load_idx %arg4[%mul3A_263] : memref<6400xf32, #tpu.memory_space<vmem>>[vector<16xi32>], vector<16xf32>,
        %add3A_265 = arith.constant 1 : i32
        %add3A_266 = vector.broadcast %add3A_265 : i32 to vector<16xi32>
        %add3A_267 = arith.addi %mul3A_263, %add3A_266 : vector<16xi32>
        %gather3A_268 = tpu.vector_load_idx %arg4[%add3A_267] : memref<6400xf32, #tpu.memory_space<vmem>>[vector<16xi32>], vector<16xf32>,
        %max3A_269 = arith.maximumf %gather3A_264, %gather3A_268 : vector<16xf32>
        %add3A_270 = arith.constant 2 : i32
        %add3A_271 = vector.broadcast %add3A_270 : i32 to vector<16xi32>
        %add3A_272 = arith.addi %mul3A_263, %add3A_271 : vector<16xi32>
        %gather3A_273 = tpu.vector_load_idx %arg4[%add3A_272] : memref<6400xf32, #tpu.memory_space<vmem>>[vector<16xi32>], vector<16xf32>,
        %max3A_274 = arith.maximumf %max3A_269, %gather3A_273 : vector<16xf32>
        %add3A_275 = arith.constant 3 : i32
        %add3A_276 = vector.broadcast %add3A_275 : i32 to vector<16xi32>
        %add3A_277 = arith.addi %mul3A_263, %add3A_276 : vector<16xi32>
        %gather3A_278 = tpu.vector_load_idx %arg4[%add3A_277] : memref<6400xf32, #tpu.memory_space<vmem>>[vector<16xi32>], vector<16xf32>,
        %max3A_279 = arith.maximumf %max3A_274, %gather3A_278 : vector<16xf32>
        %add3A_280 = arith.constant 4 : i32
        %add3A_281 = vector.broadcast %add3A_280 : i32 to vector<16xi32>
        %add3A_282 = arith.addi %mul3A_263, %add3A_281 : vector<16xi32>
        %gather3A_283 = tpu.vector_load_idx %arg4[%add3A_282] : memref<6400xf32, #tpu.memory_space<vmem>>[vector<16xi32>], vector<16xf32>,
        %max3A_284 = arith.maximumf %max3A_279, %gather3A_283 : vector<16xf32>
        %add3A_285 = arith.constant 5 : i32
        %add3A_286 = vector.broadcast %add3A_285 : i32 to vector<16xi32>
        %add3A_287 = arith.addi %mul3A_263, %add3A_286 : vector<16xi32>
        %gather3A_288 = tpu.vector_load_idx %arg4[%add3A_287] : memref<6400xf32, #tpu.memory_space<vmem>>[vector<16xi32>], vector<16xf32>,
        %max3A_289 = arith.maximumf %max3A_284, %gather3A_288 : vector<16xf32>
        %add3A_290 = arith.constant 6 : i32
        %add3A_291 = vector.broadcast %add3A_290 : i32 to vector<16xi32>
        %add3A_292 = arith.addi %mul3A_263, %add3A_291 : vector<16xi32>
        %gather3A_293 = tpu.vector_load_idx %arg4[%add3A_292] : memref<6400xf32, #tpu.memory_space<vmem>>[vector<16xi32>], vector<16xf32>,
        %max3A_294 = arith.maximumf %max3A_289, %gather3A_293 : vector<16xf32>
        %add3A_295 = arith.constant 7 : i32
        %add3A_296 = vector.broadcast %add3A_295 : i32 to vector<16xi32>
        %add3A_297 = arith.addi %mul3A_263, %add3A_296 : vector<16xi32>
        %gather3A_298 = tpu.vector_load_idx %arg4[%add3A_297] : memref<6400xf32, #tpu.memory_space<vmem>>[vector<16xi32>], vector<16xf32>,
        %max3A_299 = arith.maximumf %max3A_294, %gather3A_298 : vector<16xf32>
        %add3A_300 = arith.constant 8 : i32
        %add3A_301 = vector.broadcast %add3A_300 : i32 to vector<16xi32>
        %add3A_302 = arith.addi %mul3A_263, %add3A_301 : vector<16xi32>
        %gather3A_303 = tpu.vector_load_idx %arg4[%add3A_302] : memref<6400xf32, #tpu.memory_space<vmem>>[vector<16xi32>], vector<16xf32>,
        %max3A_304 = arith.maximumf %max3A_299, %gather3A_303 : vector<16xf32>
        %add3A_305 = arith.constant 9 : i32
        %add3A_306 = vector.broadcast %add3A_305 : i32 to vector<16xi32>
        %add3A_307 = arith.addi %mul3A_263, %add3A_306 : vector<16xi32>
        %gather3A_308 = tpu.vector_load_idx %arg4[%add3A_307] : memref<6400xf32, #tpu.memory_space<vmem>>[vector<16xi32>], vector<16xf32>,
        %max3A_309 = arith.maximumf %max3A_304, %gather3A_308 : vector<16xf32>
        %add3A_310 = arith.constant 10 : i32
        %add3A_311 = vector.broadcast %add3A_310 : i32 to vector<16xi32>
        %add3A_312 = arith.addi %mul3A_263, %add3A_311 : vector<16xi32>
        %gather3A_313 = tpu.vector_load_idx %arg4[%add3A_312] : memref<6400xf32, #tpu.memory_space<vmem>>[vector<16xi32>], vector<16xf32>,
        %max3A_314 = arith.maximumf %max3A_309, %gather3A_313 : vector<16xf32>
        %add3A_315 = arith.constant 11 : i32
        %add3A_316 = vector.broadcast %add3A_315 : i32 to vector<16xi32>
        %add3A_317 = arith.addi %mul3A_263, %add3A_316 : vector<16xi32>
        %gather3A_318 = tpu.vector_load_idx %arg4[%add3A_317] : memref<6400xf32, #tpu.memory_space<vmem>>[vector<16xi32>], vector<16xf32>,
        %max3A_319 = arith.maximumf %max3A_314, %gather3A_318 : vector<16xf32>
        %add3A_320 = arith.constant 12 : i32
        %add3A_321 = vector.broadcast %add3A_320 : i32 to vector<16xi32>
        %add3A_322 = arith.addi %mul3A_263, %add3A_321 : vector<16xi32>
        %gather3A_323 = tpu.vector_load_idx %arg4[%add3A_322] : memref<6400xf32, #tpu.memory_space<vmem>>[vector<16xi32>], vector<16xf32>,
        %max3A_324 = arith.maximumf %max3A_319, %gather3A_323 : vector<16xf32>
        %add3A_325 = arith.constant 13 : i32
        %add3A_326 = vector.broadcast %add3A_325 : i32 to vector<16xi32>
        %add3A_327 = arith.addi %mul3A_263, %add3A_326 : vector<16xi32>
        %gather3A_328 = tpu.vector_load_idx %arg4[%add3A_327] : memref<6400xf32, #tpu.memory_space<vmem>>[vector<16xi32>], vector<16xf32>,
        %max3A_329 = arith.maximumf %max3A_324, %gather3A_328 : vector<16xf32>
        %add3A_330 = arith.constant 14 : i32
        %add3A_331 = vector.broadcast %add3A_330 : i32 to vector<16xi32>
        %add3A_332 = arith.addi %mul3A_263, %add3A_331 : vector<16xi32>
        %gather3A_333 = tpu.vector_load_idx %arg4[%add3A_332] : memref<6400xf32, #tpu.memory_space<vmem>>[vector<16xi32>], vector<16xf32>,
        %max3A_334 = arith.maximumf %max3A_329, %gather3A_333 : vector<16xf32>
        %add3A_335 = arith.constant 15 : i32
        %add3A_336 = vector.broadcast %add3A_335 : i32 to vector<16xi32>
        %add3A_337 = arith.addi %mul3A_263, %add3A_336 : vector<16xi32>
        %gather3A_338 = tpu.vector_load_idx %arg4[%add3A_337] : memref<6400xf32, #tpu.memory_space<vmem>>[vector<16xi32>], vector<16xf32>,
        %max3A_339 = arith.maximumf %max3A_334, %gather3A_338 : vector<16xf32>
        %mul3A_340 = arith.constant 16 : i32
        %mul3A_341 = arith.muli %scan3A_255, %mul3A_340 : i32
        %swap3A_342 = arith.index_cast %mul3A_341 : i32 to index
        %swap3A_343 = tpu.vector_load %arg6[%swap3A_342] {strides = array<i32>} : memref<512xf32, #tpu.memory_space<vmem>>, vector<16xf32>,
        tpu.vector_store %arg6[%swap3A_342], %max3A_339 {strides = array<i32>} : memref<512xf32, #tpu.memory_space<vmem>>, vector<16xf32>,
        %scan3A_344 = arith.constant 0 : i32
        %scan3A_345 = arith.constant 1 : i32
        %scan3A_346 = arith.addi %scan3A_255, %scan3A_345 : i32
        %mul3A_347 = arith.constant 16 : i32
        %mul3A_348 = arith.muli %scan3A_346, %mul3A_347 : i32
        %add3A_349 = vector.broadcast %mul3A_348 : i32 to vector<16xi32>
        %add3A_350 = arith.addi %add3A_349, %iota3A : vector<16xi32>
        %mul3A_351 = arith.constant 16 : i32
        %mul3A_352 = vector.broadcast %mul3A_351 : i32 to vector<16xi32>
        %mul3A_353 = arith.muli %add3A_350, %mul3A_352 : vector<16xi32>
        %gather3A_354 = tpu.vector_load_idx %arg4[%mul3A_353] : memref<6400xf32, #tpu.memory_space<vmem>>[vector<16xi32>], vector<16xf32>,
        %add3A_355 = arith.constant 1 : i32
        %add3A_356 = vector.broadcast %add3A_355 : i32 to vector<16xi32>
        %add3A_357 = arith.addi %mul3A_353, %add3A_356 : vector<16xi32>
        %gather3A_358 = tpu.vector_load_idx %arg4[%add3A_357] : memref<6400xf32, #tpu.memory_space<vmem>>[vector<16xi32>], vector<16xf32>,
        %max3A_359 = arith.maximumf %gather3A_354, %gather3A_358 : vector<16xf32>
        %add3A_360 = arith.constant 2 : i32
        %add3A_361 = vector.broadcast %add3A_360 : i32 to vector<16xi32>
        %add3A_362 = arith.addi %mul3A_353, %add3A_361 : vector<16xi32>
        %gather3A_363 = tpu.vector_load_idx %arg4[%add3A_362] : memref<6400xf32, #tpu.memory_space<vmem>>[vector<16xi32>], vector<16xf32>,
        %max3A_364 = arith.maximumf %max3A_359, %gather3A_363 : vector<16xf32>
        %add3A_365 = arith.constant 3 : i32
        %add3A_366 = vector.broadcast %add3A_365 : i32 to vector<16xi32>
        %add3A_367 = arith.addi %mul3A_353, %add3A_366 : vector<16xi32>
        %gather3A_368 = tpu.vector_load_idx %arg4[%add3A_367] : memref<6400xf32, #tpu.memory_space<vmem>>[vector<16xi32>], vector<16xf32>,
        %max3A_369 = arith.maximumf %max3A_364, %gather3A_368 : vector<16xf32>
        %add3A_370 = arith.constant 4 : i32
        %add3A_371 = vector.broadcast %add3A_370 : i32 to vector<16xi32>
        %add3A_372 = arith.addi %mul3A_353, %add3A_371 : vector<16xi32>
        %gather3A_373 = tpu.vector_load_idx %arg4[%add3A_372] : memref<6400xf32, #tpu.memory_space<vmem>>[vector<16xi32>], vector<16xf32>,
        %max3A_374 = arith.maximumf %max3A_369, %gather3A_373 : vector<16xf32>
        %add3A_375 = arith.constant 5 : i32
        %add3A_376 = vector.broadcast %add3A_375 : i32 to vector<16xi32>
        %add3A_377 = arith.addi %mul3A_353, %add3A_376 : vector<16xi32>
        %gather3A_378 = tpu.vector_load_idx %arg4[%add3A_377] : memref<6400xf32, #tpu.memory_space<vmem>>[vector<16xi32>], vector<16xf32>,
        %max3A_379 = arith.maximumf %max3A_374, %gather3A_378 : vector<16xf32>
        %add3A_380 = arith.constant 6 : i32
        %add3A_381 = vector.broadcast %add3A_380 : i32 to vector<16xi32>
        %add3A_382 = arith.addi %mul3A_353, %add3A_381 : vector<16xi32>
        %gather3A_383 = tpu.vector_load_idx %arg4[%add3A_382] : memref<6400xf32, #tpu.memory_space<vmem>>[vector<16xi32>], vector<16xf32>,
        %max3A_384 = arith.maximumf %max3A_379, %gather3A_383 : vector<16xf32>
        %add3A_385 = arith.constant 7 : i32
        %add3A_386 = vector.broadcast %add3A_385 : i32 to vector<16xi32>
        %add3A_387 = arith.addi %mul3A_353, %add3A_386 : vector<16xi32>
        %gather3A_388 = tpu.vector_load_idx %arg4[%add3A_387] : memref<6400xf32, #tpu.memory_space<vmem>>[vector<16xi32>], vector<16xf32>,
        %max3A_389 = arith.maximumf %max3A_384, %gather3A_388 : vector<16xf32>
        %add3A_390 = arith.constant 8 : i32
        %add3A_391 = vector.broadcast %add3A_390 : i32 to vector<16xi32>
        %add3A_392 = arith.addi %mul3A_353, %add3A_391 : vector<16xi32>
        %gather3A_393 = tpu.vector_load_idx %arg4[%add3A_392] : memref<6400xf32, #tpu.memory_space<vmem>>[vector<16xi32>], vector<16xf32>,
        %max3A_394 = arith.maximumf %max3A_389, %gather3A_393 : vector<16xf32>
        %add3A_395 = arith.constant 9 : i32
        %add3A_396 = vector.broadcast %add3A_395 : i32 to vector<16xi32>
        %add3A_397 = arith.addi %mul3A_353, %add3A_396 : vector<16xi32>
        %gather3A_398 = tpu.vector_load_idx %arg4[%add3A_397] : memref<6400xf32, #tpu.memory_space<vmem>>[vector<16xi32>], vector<16xf32>,
        %max3A_399 = arith.maximumf %max3A_394, %gather3A_398 : vector<16xf32>
        %add3A_400 = arith.constant 10 : i32
        %add3A_401 = vector.broadcast %add3A_400 : i32 to vector<16xi32>
        %add3A_402 = arith.addi %mul3A_353, %add3A_401 : vector<16xi32>
        %gather3A_403 = tpu.vector_load_idx %arg4[%add3A_402] : memref<6400xf32, #tpu.memory_space<vmem>>[vector<16xi32>], vector<16xf32>,
        %max3A_404 = arith.maximumf %max3A_399, %gather3A_403 : vector<16xf32>
        %add3A_405 = arith.constant 11 : i32
        %add3A_406 = vector.broadcast %add3A_405 : i32 to vector<16xi32>
        %add3A_407 = arith.addi %mul3A_353, %add3A_406 : vector<16xi32>
        %gather3A_408 = tpu.vector_load_idx %arg4[%add3A_407] : memref<6400xf32, #tpu.memory_space<vmem>>[vector<16xi32>], vector<16xf32>,
        %max3A_409 = arith.maximumf %max3A_404, %gather3A_408 : vector<16xf32>
        %add3A_410 = arith.constant 12 : i32
        %add3A_411 = vector.broadcast %add3A_410 : i32 to vector<16xi32>
        %add3A_412 = arith.addi %mul3A_353, %add3A_411 : vector<16xi32>
        %gather3A_413 = tpu.vector_load_idx %arg4[%add3A_412] : memref<6400xf32, #tpu.memory_space<vmem>>[vector<16xi32>], vector<16xf32>,
        %max3A_414 = arith.maximumf %max3A_409, %gather3A_413 : vector<16xf32>
        %add3A_415 = arith.constant 13 : i32
        %add3A_416 = vector.broadcast %add3A_415 : i32 to vector<16xi32>
        %add3A_417 = arith.addi %mul3A_353, %add3A_416 : vector<16xi32>
        %gather3A_418 = tpu.vector_load_idx %arg4[%add3A_417] : memref<6400xf32, #tpu.memory_space<vmem>>[vector<16xi32>], vector<16xf32>,
        %max3A_419 = arith.maximumf %max3A_414, %gather3A_418 : vector<16xf32>
        %add3A_420 = arith.constant 14 : i32
        %add3A_421 = vector.broadcast %add3A_420 : i32 to vector<16xi32>
        %add3A_422 = arith.addi %mul3A_353, %add3A_421 : vector<16xi32>
        %gather3A_423 = tpu.vector_load_idx %arg4[%add3A_422] : memref<6400xf32, #tpu.memory_space<vmem>>[vector<16xi32>], vector<16xf32>,
        %max3A_424 = arith.maximumf %max3A_419, %gather3A_423 : vector<16xf32>
        %add3A_425 = arith.constant 15 : i32
        %add3A_426 = vector.broadcast %add3A_425 : i32 to vector<16xi32>
        %add3A_427 = arith.addi %mul3A_353, %add3A_426 : vector<16xi32>
        %gather3A_428 = tpu.vector_load_idx %arg4[%add3A_427] : memref<6400xf32, #tpu.memory_space<vmem>>[vector<16xi32>], vector<16xf32>,
        %max3A_429 = arith.maximumf %max3A_424, %gather3A_428 : vector<16xf32>
        %mul3A_430 = arith.constant 16 : i32
        %mul3A_431 = arith.muli %scan3A_346, %mul3A_430 : i32
        %swap3A_432 = arith.index_cast %mul3A_431 : i32 to index
        %swap3A_433 = tpu.vector_load %arg6[%swap3A_432] {strides = array<i32>} : memref<512xf32, #tpu.memory_space<vmem>>, vector<16xf32>,
        tpu.vector_store %arg6[%swap3A_432], %max3A_429 {strides = array<i32>} : memref<512xf32, #tpu.memory_space<vmem>>, vector<16xf32>,
        %scan3A_434 = arith.constant 0 : i32
        %scan3A_435 = arith.constant 2 : i32
        %scan3A_436 = arith.addi %scan3A_255, %scan3A_435 : i32
        %mul3A_437 = arith.constant 16 : i32
        %mul3A_438 = arith.muli %scan3A_436, %mul3A_437 : i32
        %add3A_439 = vector.broadcast %mul3A_438 : i32 to vector<16xi32>
        %add3A_440 = arith.addi %add3A_439, %iota3A : vector<16xi32>
        %mul3A_441 = arith.constant 16 : i32
        %mul3A_442 = vector.broadcast %mul3A_441 : i32 to vector<16xi32>
        %mul3A_443 = arith.muli %add3A_440, %mul3A_442 : vector<16xi32>
        %gather3A_444 = tpu.vector_load_idx %arg4[%mul3A_443] : memref<6400xf32, #tpu.memory_space<vmem>>[vector<16xi32>], vector<16xf32>,
        %add3A_445 = arith.constant 1 : i32
        %add3A_446 = vector.broadcast %add3A_445 : i32 to vector<16xi32>
        %add3A_447 = arith.addi %mul3A_443, %add3A_446 : vector<16xi32>
        %gather3A_448 = tpu.vector_load_idx %arg4[%add3A_447] : memref<6400xf32, #tpu.memory_space<vmem>>[vector<16xi32>], vector<16xf32>,
        %max3A_449 = arith.maximumf %gather3A_444, %gather3A_448 : vector<16xf32>
        %add3A_450 = arith.constant 2 : i32
        %add3A_451 = vector.broadcast %add3A_450 : i32 to vector<16xi32>
        %add3A_452 = arith.addi %mul3A_443, %add3A_451 : vector<16xi32>
        %gather3A_453 = tpu.vector_load_idx %arg4[%add3A_452] : memref<6400xf32, #tpu.memory_space<vmem>>[vector<16xi32>], vector<16xf32>,
        %max3A_454 = arith.maximumf %max3A_449, %gather3A_453 : vector<16xf32>
        %add3A_455 = arith.constant 3 : i32
        %add3A_456 = vector.broadcast %add3A_455 : i32 to vector<16xi32>
        %add3A_457 = arith.addi %mul3A_443, %add3A_456 : vector<16xi32>
        %gather3A_458 = tpu.vector_load_idx %arg4[%add3A_457] : memref<6400xf32, #tpu.memory_space<vmem>>[vector<16xi32>], vector<16xf32>,
        %max3A_459 = arith.maximumf %max3A_454, %gather3A_458 : vector<16xf32>
        %add3A_460 = arith.constant 4 : i32
        %add3A_461 = vector.broadcast %add3A_460 : i32 to vector<16xi32>
        %add3A_462 = arith.addi %mul3A_443, %add3A_461 : vector<16xi32>
        %gather3A_463 = tpu.vector_load_idx %arg4[%add3A_462] : memref<6400xf32, #tpu.memory_space<vmem>>[vector<16xi32>], vector<16xf32>,
        %max3A_464 = arith.maximumf %max3A_459, %gather3A_463 : vector<16xf32>
        %add3A_465 = arith.constant 5 : i32
        %add3A_466 = vector.broadcast %add3A_465 : i32 to vector<16xi32>
        %add3A_467 = arith.addi %mul3A_443, %add3A_466 : vector<16xi32>
        %gather3A_468 = tpu.vector_load_idx %arg4[%add3A_467] : memref<6400xf32, #tpu.memory_space<vmem>>[vector<16xi32>], vector<16xf32>,
        %max3A_469 = arith.maximumf %max3A_464, %gather3A_468 : vector<16xf32>
        %add3A_470 = arith.constant 6 : i32
        %add3A_471 = vector.broadcast %add3A_470 : i32 to vector<16xi32>
        %add3A_472 = arith.addi %mul3A_443, %add3A_471 : vector<16xi32>
        %gather3A_473 = tpu.vector_load_idx %arg4[%add3A_472] : memref<6400xf32, #tpu.memory_space<vmem>>[vector<16xi32>], vector<16xf32>,
        %max3A_474 = arith.maximumf %max3A_469, %gather3A_473 : vector<16xf32>
        %add3A_475 = arith.constant 7 : i32
        %add3A_476 = vector.broadcast %add3A_475 : i32 to vector<16xi32>
        %add3A_477 = arith.addi %mul3A_443, %add3A_476 : vector<16xi32>
        %gather3A_478 = tpu.vector_load_idx %arg4[%add3A_477] : memref<6400xf32, #tpu.memory_space<vmem>>[vector<16xi32>], vector<16xf32>,
        %max3A_479 = arith.maximumf %max3A_474, %gather3A_478 : vector<16xf32>
        %add3A_480 = arith.constant 8 : i32
        %add3A_481 = vector.broadcast %add3A_480 : i32 to vector<16xi32>
        %add3A_482 = arith.addi %mul3A_443, %add3A_481 : vector<16xi32>
        %gather3A_483 = tpu.vector_load_idx %arg4[%add3A_482] : memref<6400xf32, #tpu.memory_space<vmem>>[vector<16xi32>], vector<16xf32>,
        %max3A_484 = arith.maximumf %max3A_479, %gather3A_483 : vector<16xf32>
        %add3A_485 = arith.constant 9 : i32
        %add3A_486 = vector.broadcast %add3A_485 : i32 to vector<16xi32>
        %add3A_487 = arith.addi %mul3A_443, %add3A_486 : vector<16xi32>
        %gather3A_488 = tpu.vector_load_idx %arg4[%add3A_487] : memref<6400xf32, #tpu.memory_space<vmem>>[vector<16xi32>], vector<16xf32>,
        %max3A_489 = arith.maximumf %max3A_484, %gather3A_488 : vector<16xf32>
        %add3A_490 = arith.constant 10 : i32
        %add3A_491 = vector.broadcast %add3A_490 : i32 to vector<16xi32>
        %add3A_492 = arith.addi %mul3A_443, %add3A_491 : vector<16xi32>
        %gather3A_493 = tpu.vector_load_idx %arg4[%add3A_492] : memref<6400xf32, #tpu.memory_space<vmem>>[vector<16xi32>], vector<16xf32>,
        %max3A_494 = arith.maximumf %max3A_489, %gather3A_493 : vector<16xf32>
        %add3A_495 = arith.constant 11 : i32
        %add3A_496 = vector.broadcast %add3A_495 : i32 to vector<16xi32>
        %add3A_497 = arith.addi %mul3A_443, %add3A_496 : vector<16xi32>
        %gather3A_498 = tpu.vector_load_idx %arg4[%add3A_497] : memref<6400xf32, #tpu.memory_space<vmem>>[vector<16xi32>], vector<16xf32>,
        %max3A_499 = arith.maximumf %max3A_494, %gather3A_498 : vector<16xf32>
        %add3A_500 = arith.constant 12 : i32
        %add3A_501 = vector.broadcast %add3A_500 : i32 to vector<16xi32>
        %add3A_502 = arith.addi %mul3A_443, %add3A_501 : vector<16xi32>
        %gather3A_503 = tpu.vector_load_idx %arg4[%add3A_502] : memref<6400xf32, #tpu.memory_space<vmem>>[vector<16xi32>], vector<16xf32>,
        %max3A_504 = arith.maximumf %max3A_499, %gather3A_503 : vector<16xf32>
        %add3A_505 = arith.constant 13 : i32
        %add3A_506 = vector.broadcast %add3A_505 : i32 to vector<16xi32>
        %add3A_507 = arith.addi %mul3A_443, %add3A_506 : vector<16xi32>
        %gather3A_508 = tpu.vector_load_idx %arg4[%add3A_507] : memref<6400xf32, #tpu.memory_space<vmem>>[vector<16xi32>], vector<16xf32>,
        %max3A_509 = arith.maximumf %max3A_504, %gather3A_508 : vector<16xf32>
        %add3A_510 = arith.constant 14 : i32
        %add3A_511 = vector.broadcast %add3A_510 : i32 to vector<16xi32>
        %add3A_512 = arith.addi %mul3A_443, %add3A_511 : vector<16xi32>
        %gather3A_513 = tpu.vector_load_idx %arg4[%add3A_512] : memref<6400xf32, #tpu.memory_space<vmem>>[vector<16xi32>], vector<16xf32>,
        %max3A_514 = arith.maximumf %max3A_509, %gather3A_513 : vector<16xf32>
        %add3A_515 = arith.constant 15 : i32
        %add3A_516 = vector.broadcast %add3A_515 : i32 to vector<16xi32>
        %add3A_517 = arith.addi %mul3A_443, %add3A_516 : vector<16xi32>
        %gather3A_518 = tpu.vector_load_idx %arg4[%add3A_517] : memref<6400xf32, #tpu.memory_space<vmem>>[vector<16xi32>], vector<16xf32>,
        %max3A_519 = arith.maximumf %max3A_514, %gather3A_518 : vector<16xf32>
        %mul3A_520 = arith.constant 16 : i32
        %mul3A_521 = arith.muli %scan3A_436, %mul3A_520 : i32
        %swap3A_522 = arith.index_cast %mul3A_521 : i32 to index
        %swap3A_523 = tpu.vector_load %arg6[%swap3A_522] {strides = array<i32>} : memref<512xf32, #tpu.memory_space<vmem>>, vector<16xf32>,
        tpu.vector_store %arg6[%swap3A_522], %max3A_519 {strides = array<i32>} : memref<512xf32, #tpu.memory_space<vmem>>, vector<16xf32>,
        %scan3A_524 = arith.constant 0 : i32
        %scan3A_525 = arith.constant 3 : i32
        %scan3A_526 = arith.addi %scan3A_255, %scan3A_525 : i32
        %mul3A_527 = arith.constant 16 : i32
        %mul3A_528 = arith.muli %scan3A_526, %mul3A_527 : i32
        %add3A_529 = vector.broadcast %mul3A_528 : i32 to vector<16xi32>
        %add3A_530 = arith.addi %add3A_529, %iota3A : vector<16xi32>
        %mul3A_531 = arith.constant 16 : i32
        %mul3A_532 = vector.broadcast %mul3A_531 : i32 to vector<16xi32>
        %mul3A_533 = arith.muli %add3A_530, %mul3A_532 : vector<16xi32>
        %gather3A_534 = tpu.vector_load_idx %arg4[%mul3A_533] : memref<6400xf32, #tpu.memory_space<vmem>>[vector<16xi32>], vector<16xf32>,
        %add3A_535 = arith.constant 1 : i32
        %add3A_536 = vector.broadcast %add3A_535 : i32 to vector<16xi32>
        %add3A_537 = arith.addi %mul3A_533, %add3A_536 : vector<16xi32>
        %gather3A_538 = tpu.vector_load_idx %arg4[%add3A_537] : memref<6400xf32, #tpu.memory_space<vmem>>[vector<16xi32>], vector<16xf32>,
        %max3A_539 = arith.maximumf %gather3A_534, %gather3A_538 : vector<16xf32>
        %add3A_540 = arith.constant 2 : i32
        %add3A_541 = vector.broadcast %add3A_540 : i32 to vector<16xi32>
        %add3A_542 = arith.addi %mul3A_533, %add3A_541 : vector<16xi32>
        %gather3A_543 = tpu.vector_load_idx %arg4[%add3A_542] : memref<6400xf32, #tpu.memory_space<vmem>>[vector<16xi32>], vector<16xf32>,
        %max3A_544 = arith.maximumf %max3A_539, %gather3A_543 : vector<16xf32>
        %add3A_545 = arith.constant 3 : i32
        %add3A_546 = vector.broadcast %add3A_545 : i32 to vector<16xi32>
        %add3A_547 = arith.addi %mul3A_533, %add3A_546 : vector<16xi32>
        %gather3A_548 = tpu.vector_load_idx %arg4[%add3A_547] : memref<6400xf32, #tpu.memory_space<vmem>>[vector<16xi32>], vector<16xf32>,
        %max3A_549 = arith.maximumf %max3A_544, %gather3A_548 : vector<16xf32>
        %add3A_550 = arith.constant 4 : i32
        %add3A_551 = vector.broadcast %add3A_550 : i32 to vector<16xi32>
        %add3A_552 = arith.addi %mul3A_533, %add3A_551 : vector<16xi32>
        %gather3A_553 = tpu.vector_load_idx %arg4[%add3A_552] : memref<6400xf32, #tpu.memory_space<vmem>>[vector<16xi32>], vector<16xf32>,
        %max3A_554 = arith.maximumf %max3A_549, %gather3A_553 : vector<16xf32>
        %add3A_555 = arith.constant 5 : i32
        %add3A_556 = vector.broadcast %add3A_555 : i32 to vector<16xi32>
        %add3A_557 = arith.addi %mul3A_533, %add3A_556 : vector<16xi32>
        %gather3A_558 = tpu.vector_load_idx %arg4[%add3A_557] : memref<6400xf32, #tpu.memory_space<vmem>>[vector<16xi32>], vector<16xf32>,
        %max3A_559 = arith.maximumf %max3A_554, %gather3A_558 : vector<16xf32>
        %add3A_560 = arith.constant 6 : i32
        %add3A_561 = vector.broadcast %add3A_560 : i32 to vector<16xi32>
        %add3A_562 = arith.addi %mul3A_533, %add3A_561 : vector<16xi32>
        %gather3A_563 = tpu.vector_load_idx %arg4[%add3A_562] : memref<6400xf32, #tpu.memory_space<vmem>>[vector<16xi32>], vector<16xf32>,
        %max3A_564 = arith.maximumf %max3A_559, %gather3A_563 : vector<16xf32>
        %add3A_565 = arith.constant 7 : i32
        %add3A_566 = vector.broadcast %add3A_565 : i32 to vector<16xi32>
        %add3A_567 = arith.addi %mul3A_533, %add3A_566 : vector<16xi32>
        %gather3A_568 = tpu.vector_load_idx %arg4[%add3A_567] : memref<6400xf32, #tpu.memory_space<vmem>>[vector<16xi32>], vector<16xf32>,
        %max3A_569 = arith.maximumf %max3A_564, %gather3A_568 : vector<16xf32>
        %add3A_570 = arith.constant 8 : i32
        %add3A_571 = vector.broadcast %add3A_570 : i32 to vector<16xi32>
        %add3A_572 = arith.addi %mul3A_533, %add3A_571 : vector<16xi32>
        %gather3A_573 = tpu.vector_load_idx %arg4[%add3A_572] : memref<6400xf32, #tpu.memory_space<vmem>>[vector<16xi32>], vector<16xf32>,
        %max3A_574 = arith.maximumf %max3A_569, %gather3A_573 : vector<16xf32>
        %add3A_575 = arith.constant 9 : i32
        %add3A_576 = vector.broadcast %add3A_575 : i32 to vector<16xi32>
        %add3A_577 = arith.addi %mul3A_533, %add3A_576 : vector<16xi32>
        %gather3A_578 = tpu.vector_load_idx %arg4[%add3A_577] : memref<6400xf32, #tpu.memory_space<vmem>>[vector<16xi32>], vector<16xf32>,
        %max3A_579 = arith.maximumf %max3A_574, %gather3A_578 : vector<16xf32>
        %add3A_580 = arith.constant 10 : i32
        %add3A_581 = vector.broadcast %add3A_580 : i32 to vector<16xi32>
        %add3A_582 = arith.addi %mul3A_533, %add3A_581 : vector<16xi32>
        %gather3A_583 = tpu.vector_load_idx %arg4[%add3A_582] : memref<6400xf32, #tpu.memory_space<vmem>>[vector<16xi32>], vector<16xf32>,
        %max3A_584 = arith.maximumf %max3A_579, %gather3A_583 : vector<16xf32>
        %add3A_585 = arith.constant 11 : i32
        %add3A_586 = vector.broadcast %add3A_585 : i32 to vector<16xi32>
        %add3A_587 = arith.addi %mul3A_533, %add3A_586 : vector<16xi32>
        %gather3A_588 = tpu.vector_load_idx %arg4[%add3A_587] : memref<6400xf32, #tpu.memory_space<vmem>>[vector<16xi32>], vector<16xf32>,
        %max3A_589 = arith.maximumf %max3A_584, %gather3A_588 : vector<16xf32>
        %add3A_590 = arith.constant 12 : i32
        %add3A_591 = vector.broadcast %add3A_590 : i32 to vector<16xi32>
        %add3A_592 = arith.addi %mul3A_533, %add3A_591 : vector<16xi32>
        %gather3A_593 = tpu.vector_load_idx %arg4[%add3A_592] : memref<6400xf32, #tpu.memory_space<vmem>>[vector<16xi32>], vector<16xf32>,
        %max3A_594 = arith.maximumf %max3A_589, %gather3A_593 : vector<16xf32>
        %add3A_595 = arith.constant 13 : i32
        %add3A_596 = vector.broadcast %add3A_595 : i32 to vector<16xi32>
        %add3A_597 = arith.addi %mul3A_533, %add3A_596 : vector<16xi32>
        %gather3A_598 = tpu.vector_load_idx %arg4[%add3A_597] : memref<6400xf32, #tpu.memory_space<vmem>>[vector<16xi32>], vector<16xf32>,
        %max3A_599 = arith.maximumf %max3A_594, %gather3A_598 : vector<16xf32>
        %add3A_600 = arith.constant 14 : i32
        %add3A_601 = vector.broadcast %add3A_600 : i32 to vector<16xi32>
        %add3A_602 = arith.addi %mul3A_533, %add3A_601 : vector<16xi32>
        %gather3A_603 = tpu.vector_load_idx %arg4[%add3A_602] : memref<6400xf32, #tpu.memory_space<vmem>>[vector<16xi32>], vector<16xf32>,
        %max3A_604 = arith.maximumf %max3A_599, %gather3A_603 : vector<16xf32>
        %add3A_605 = arith.constant 15 : i32
        %add3A_606 = vector.broadcast %add3A_605 : i32 to vector<16xi32>
        %add3A_607 = arith.addi %mul3A_533, %add3A_606 : vector<16xi32>
        %gather3A_608 = tpu.vector_load_idx %arg4[%add3A_607] : memref<6400xf32, #tpu.memory_space<vmem>>[vector<16xi32>], vector<16xf32>,
        %max3A_609 = arith.maximumf %max3A_604, %gather3A_608 : vector<16xf32>
        %mul3A_610 = arith.constant 16 : i32
        %mul3A_611 = arith.muli %scan3A_526, %mul3A_610 : i32
        %swap3A_612 = arith.index_cast %mul3A_611 : i32 to index
        %swap3A_613 = tpu.vector_load %arg6[%swap3A_612] {strides = array<i32>} : memref<512xf32, #tpu.memory_space<vmem>>, vector<16xf32>,
        tpu.vector_store %arg6[%swap3A_612], %max3A_609 {strides = array<i32>} : memref<512xf32, #tpu.memory_space<vmem>>, vector<16xf32>,
        %scan3A_614 = arith.constant 0 : i32
        scf.yield %scan3A_614 : i32
      }
      %scan3A_136 = arith.constant 24 : i32
      %scan3A_137 = arith.addi %scan3A_131, %scan3A_136 : i32
      %mul3A_138 = arith.constant 16 : i32
      %mul3A_139 = arith.muli %scan3A_137, %mul3A_138 : i32
      %add3A = vector.broadcast %mul3A_139 : i32 to vector<16xi32>
      %add3A_140 = arith.addi %add3A, %iota3A : vector<16xi32>
      %mul3A_141 = arith.constant 16 : i32
      %mul3A_142 = vector.broadcast %mul3A_141 : i32 to vector<16xi32>
      %mul3A_143 = arith.muli %add3A_140, %mul3A_142 : vector<16xi32>
      %gather3A = tpu.vector_load_idx %arg4[%mul3A_143] : memref<6400xf32, #tpu.memory_space<vmem>>[vector<16xi32>], vector<16xf32>,
      %add3A_144 = arith.constant 1 : i32
      %add3A_145 = vector.broadcast %add3A_144 : i32 to vector<16xi32>
      %add3A_146 = arith.addi %mul3A_143, %add3A_145 : vector<16xi32>
      %gather3A_147 = tpu.vector_load_idx %arg4[%add3A_146] : memref<6400xf32, #tpu.memory_space<vmem>>[vector<16xi32>], vector<16xf32>,
      %max3A = arith.maximumf %gather3A, %gather3A_147 : vector<16xf32>
      %add3A_148 = arith.constant 2 : i32
      %add3A_149 = vector.broadcast %add3A_148 : i32 to vector<16xi32>
      %add3A_150 = arith.addi %mul3A_143, %add3A_149 : vector<16xi32>
      %gather3A_151 = tpu.vector_load_idx %arg4[%add3A_150] : memref<6400xf32, #tpu.memory_space<vmem>>[vector<16xi32>], vector<16xf32>,
      %max3A_152 = arith.maximumf %max3A, %gather3A_151 : vector<16xf32>
      %add3A_153 = arith.constant 3 : i32
      %add3A_154 = vector.broadcast %add3A_153 : i32 to vector<16xi32>
      %add3A_155 = arith.addi %mul3A_143, %add3A_154 : vector<16xi32>
      %gather3A_156 = tpu.vector_load_idx %arg4[%add3A_155] : memref<6400xf32, #tpu.memory_space<vmem>>[vector<16xi32>], vector<16xf32>,
      %max3A_157 = arith.maximumf %max3A_152, %gather3A_156 : vector<16xf32>
      %add3A_158 = arith.constant 4 : i32
      %add3A_159 = vector.broadcast %add3A_158 : i32 to vector<16xi32>
      %add3A_160 = arith.addi %mul3A_143, %add3A_159 : vector<16xi32>
      %gather3A_161 = tpu.vector_load_idx %arg4[%add3A_160] : memref<6400xf32, #tpu.memory_space<vmem>>[vector<16xi32>], vector<16xf32>,
      %max3A_162 = arith.maximumf %max3A_157, %gather3A_161 : vector<16xf32>
      %add3A_163 = arith.constant 5 : i32
      %add3A_164 = vector.broadcast %add3A_163 : i32 to vector<16xi32>
      %add3A_165 = arith.addi %mul3A_143, %add3A_164 : vector<16xi32>
      %gather3A_166 = tpu.vector_load_idx %arg4[%add3A_165] : memref<6400xf32, #tpu.memory_space<vmem>>[vector<16xi32>], vector<16xf32>,
      %max3A_167 = arith.maximumf %max3A_162, %gather3A_166 : vector<16xf32>
      %add3A_168 = arith.constant 6 : i32
      %add3A_169 = vector.broadcast %add3A_168 : i32 to vector<16xi32>
      %add3A_170 = arith.addi %mul3A_143, %add3A_169 : vector<16xi32>
      %gather3A_171 = tpu.vector_load_idx %arg4[%add3A_170] : memref<6400xf32, #tpu.memory_space<vmem>>[vector<16xi32>], vector<16xf32>,
      %max3A_172 = arith.maximumf %max3A_167, %gather3A_171 : vector<16xf32>
      %add3A_173 = arith.constant 7 : i32
      %add3A_174 = vector.broadcast %add3A_173 : i32 to vector<16xi32>
      %add3A_175 = arith.addi %mul3A_143, %add3A_174 : vector<16xi32>
      %gather3A_176 = tpu.vector_load_idx %arg4[%add3A_175] : memref<6400xf32, #tpu.memory_space<vmem>>[vector<16xi32>], vector<16xf32>,
      %max3A_177 = arith.maximumf %max3A_172, %gather3A_176 : vector<16xf32>
      %add3A_178 = arith.constant 8 : i32
      %add3A_179 = vector.broadcast %add3A_178 : i32 to vector<16xi32>
      %add3A_180 = arith.addi %mul3A_143, %add3A_179 : vector<16xi32>
      %gather3A_181 = tpu.vector_load_idx %arg4[%add3A_180] : memref<6400xf32, #tpu.memory_space<vmem>>[vector<16xi32>], vector<16xf32>,
      %max3A_182 = arith.maximumf %max3A_177, %gather3A_181 : vector<16xf32>
      %add3A_183 = arith.constant 9 : i32
      %add3A_184 = vector.broadcast %add3A_183 : i32 to vector<16xi32>
      %add3A_185 = arith.addi %mul3A_143, %add3A_184 : vector<16xi32>
      %gather3A_186 = tpu.vector_load_idx %arg4[%add3A_185] : memref<6400xf32, #tpu.memory_space<vmem>>[vector<16xi32>], vector<16xf32>,
      %max3A_187 = arith.maximumf %max3A_182, %gather3A_186 : vector<16xf32>
      %add3A_188 = arith.constant 10 : i32
      %add3A_189 = vector.broadcast %add3A_188 : i32 to vector<16xi32>
      %add3A_190 = arith.addi %mul3A_143, %add3A_189 : vector<16xi32>
      %gather3A_191 = tpu.vector_load_idx %arg4[%add3A_190] : memref<6400xf32, #tpu.memory_space<vmem>>[vector<16xi32>], vector<16xf32>,
      %max3A_192 = arith.maximumf %max3A_187, %gather3A_191 : vector<16xf32>
      %add3A_193 = arith.constant 11 : i32
      %add3A_194 = vector.broadcast %add3A_193 : i32 to vector<16xi32>
      %add3A_195 = arith.addi %mul3A_143, %add3A_194 : vector<16xi32>
      %gather3A_196 = tpu.vector_load_idx %arg4[%add3A_195] : memref<6400xf32, #tpu.memory_space<vmem>>[vector<16xi32>], vector<16xf32>,
      %max3A_197 = arith.maximumf %max3A_192, %gather3A_196 : vector<16xf32>
      %add3A_198 = arith.constant 12 : i32
      %add3A_199 = vector.broadcast %add3A_198 : i32 to vector<16xi32>
      %add3A_200 = arith.addi %mul3A_143, %add3A_199 : vector<16xi32>
      %gather3A_201 = tpu.vector_load_idx %arg4[%add3A_200] : memref<6400xf32, #tpu.memory_space<vmem>>[vector<16xi32>], vector<16xf32>,
      %max3A_202 = arith.maximumf %max3A_197, %gather3A_201 : vector<16xf32>
      %add3A_203 = arith.constant 13 : i32
      %add3A_204 = vector.broadcast %add3A_203 : i32 to vector<16xi32>
      %add3A_205 = arith.addi %mul3A_143, %add3A_204 : vector<16xi32>
      %gather3A_206 = tpu.vector_load_idx %arg4[%add3A_205] : memref<6400xf32, #tpu.memory_space<vmem>>[vector<16xi32>], vector<16xf32>,
      %max3A_207 = arith.maximumf %max3A_202, %gather3A_206 : vector<16xf32>
      %add3A_208 = arith.constant 14 : i32
      %add3A_209 = vector.broadcast %add3A_208 : i32 to vector<16xi32>
      %add3A_210 = arith.addi %mul3A_143, %add3A_209 : vector<16xi32>
      %gather3A_211 = tpu.vector_load_idx %arg4[%add3A_210] : memref<6400xf32, #tpu.memory_space<vmem>>[vector<16xi32>], vector<16xf32>,
      %max3A_212 = arith.maximumf %max3A_207, %gather3A_211 : vector<16xf32>
      %add3A_213 = arith.constant 15 : i32
      %add3A_214 = vector.broadcast %add3A_213 : i32 to vector<16xi32>
      %add3A_215 = arith.addi %mul3A_143, %add3A_214 : vector<16xi32>
      %gather3A_216 = tpu.vector_load_idx %arg4[%add3A_215] : memref<6400xf32, #tpu.memory_space<vmem>>[vector<16xi32>], vector<16xf32>,
      %max3A_217 = arith.maximumf %max3A_212, %gather3A_216 : vector<16xf32>
      %mul3A_218 = arith.constant 16 : i32
      %mul3A_219 = arith.muli %scan3A_137, %mul3A_218 : i32
      %swap3A_220 = arith.index_cast %mul3A_219 : i32 to index
      %swap3A_221 = tpu.vector_load %arg6[%swap3A_220] {strides = array<i32>} : memref<512xf32, #tpu.memory_space<vmem>>, vector<16xf32>,
      tpu.vector_store %arg6[%swap3A_220], %max3A_217 {strides = array<i32>} : memref<512xf32, #tpu.memory_space<vmem>>, vector<16xf32>,
      %scan3A_222 = arith.constant 0 : i32
      %scan3A_223 = arith.constant 25 : i32
      %iota3A_224 = tpu.iota {dimensions = array<i32: 0>} : vector<16xi32>
      %scan3A_225 = arith.constant 0 : i32
      %scan3A_226 = arith.constant 0 : i32
      %scan3A_227 = arith.constant 2 : i32
      %scan3A_228 = arith.addi %scan3A_226, %scan3A_227 : i32
      %scan3A_229 = arith.constant 1 : i32
      %scan3A_230 = scf.for %scan3A_255 = %scan3A_226 to %scan3A_228 step %scan3A_229 iter_args(%scan3A_256 = %scan3A_225) -> (i32)  : i32 {
        %mul3A_257 = arith.constant 16 : i32
        %mul3A_258 = arith.muli %scan3A_255, %mul3A_257 : i32
        %add3A_259 = vector.broadcast %mul3A_258 : i32 to vector<16xi32>
        %add3A_260 = arith.addi %add3A_259, %iota3A_224 : vector<16xi32>
        %mul3A_261 = arith.constant 16 : i32
        %mul3A_262 = vector.broadcast %mul3A_261 : i32 to vector<16xi32>
        %mul3A_263 = arith.muli %add3A_260, %mul3A_262 : vector<16xi32>
        %gather3A_264 = tpu.vector_load_idx %arg6[%mul3A_263] : memref<512xf32, #tpu.memory_space<vmem>>[vector<16xi32>], vector<16xf32>,
        %add3A_265 = arith.constant 1 : i32
        %add3A_266 = vector.broadcast %add3A_265 : i32 to vector<16xi32>
        %add3A_267 = arith.addi %mul3A_263, %add3A_266 : vector<16xi32>
        %gather3A_268 = tpu.vector_load_idx %arg6[%add3A_267] : memref<512xf32, #tpu.memory_space<vmem>>[vector<16xi32>], vector<16xf32>,
        %max3A_269 = arith.maximumf %gather3A_264, %gather3A_268 : vector<16xf32>
        %add3A_270 = arith.constant 2 : i32
        %add3A_271 = vector.broadcast %add3A_270 : i32 to vector<16xi32>
        %add3A_272 = arith.addi %mul3A_263, %add3A_271 : vector<16xi32>
        %gather3A_273 = tpu.vector_load_idx %arg6[%add3A_272] : memref<512xf32, #tpu.memory_space<vmem>>[vector<16xi32>], vector<16xf32>,
        %max3A_274 = arith.maximumf %max3A_269, %gather3A_273 : vector<16xf32>
        %add3A_275 = arith.constant 3 : i32
        %add3A_276 = vector.broadcast %add3A_275 : i32 to vector<16xi32>
        %add3A_277 = arith.addi %mul3A_263, %add3A_276 : vector<16xi32>
        %gather3A_278 = tpu.vector_load_idx %arg6[%add3A_277] : memref<512xf32, #tpu.memory_space<vmem>>[vector<16xi32>], vector<16xf32>,
        %max3A_279 = arith.maximumf %max3A_274, %gather3A_278 : vector<16xf32>
        %add3A_280 = arith.constant 4 : i32
        %add3A_281 = vector.broadcast %add3A_280 : i32 to vector<16xi32>
        %add3A_282 = arith.addi %mul3A_263, %add3A_281 : vector<16xi32>
        %gather3A_283 = tpu.vector_load_idx %arg6[%add3A_282] : memref<512xf32, #tpu.memory_space<vmem>>[vector<16xi32>], vector<16xf32>,
        %max3A_284 = arith.maximumf %max3A_279, %gather3A_283 : vector<16xf32>
        %add3A_285 = arith.constant 5 : i32
        %add3A_286 = vector.broadcast %add3A_285 : i32 to vector<16xi32>
        %add3A_287 = arith.addi %mul3A_263, %add3A_286 : vector<16xi32>
        %gather3A_288 = tpu.vector_load_idx %arg6[%add3A_287] : memref<512xf32, #tpu.memory_space<vmem>>[vector<16xi32>], vector<16xf32>,
        %max3A_289 = arith.maximumf %max3A_284, %gather3A_288 : vector<16xf32>
        %add3A_290 = arith.constant 6 : i32
        %add3A_291 = vector.broadcast %add3A_290 : i32 to vector<16xi32>
        %add3A_292 = arith.addi %mul3A_263, %add3A_291 : vector<16xi32>
        %gather3A_293 = tpu.vector_load_idx %arg6[%add3A_292] : memref<512xf32, #tpu.memory_space<vmem>>[vector<16xi32>], vector<16xf32>,
        %max3A_294 = arith.maximumf %max3A_289, %gather3A_293 : vector<16xf32>
        %add3A_295 = arith.constant 7 : i32
        %add3A_296 = vector.broadcast %add3A_295 : i32 to vector<16xi32>
        %add3A_297 = arith.addi %mul3A_263, %add3A_296 : vector<16xi32>
        %gather3A_298 = tpu.vector_load_idx %arg6[%add3A_297] : memref<512xf32, #tpu.memory_space<vmem>>[vector<16xi32>], vector<16xf32>,
        %max3A_299 = arith.maximumf %max3A_294, %gather3A_298 : vector<16xf32>
        %add3A_300 = arith.constant 8 : i32
        %add3A_301 = vector.broadcast %add3A_300 : i32 to vector<16xi32>
        %add3A_302 = arith.addi %mul3A_263, %add3A_301 : vector<16xi32>
        %gather3A_303 = tpu.vector_load_idx %arg6[%add3A_302] : memref<512xf32, #tpu.memory_space<vmem>>[vector<16xi32>], vector<16xf32>,
        %max3A_304 = arith.maximumf %max3A_299, %gather3A_303 : vector<16xf32>
        %add3A_305 = arith.constant 9 : i32
        %add3A_306 = vector.broadcast %add3A_305 : i32 to vector<16xi32>
        %add3A_307 = arith.addi %mul3A_263, %add3A_306 : vector<16xi32>
        %gather3A_308 = tpu.vector_load_idx %arg6[%add3A_307] : memref<512xf32, #tpu.memory_space<vmem>>[vector<16xi32>], vector<16xf32>,
        %max3A_309 = arith.maximumf %max3A_304, %gather3A_308 : vector<16xf32>
        %add3A_310 = arith.constant 10 : i32
        %add3A_311 = vector.broadcast %add3A_310 : i32 to vector<16xi32>
        %add3A_312 = arith.addi %mul3A_263, %add3A_311 : vector<16xi32>
        %gather3A_313 = tpu.vector_load_idx %arg6[%add3A_312] : memref<512xf32, #tpu.memory_space<vmem>>[vector<16xi32>], vector<16xf32>,
        %max3A_314 = arith.maximumf %max3A_309, %gather3A_313 : vector<16xf32>
        %add3A_315 = arith.constant 11 : i32
        %add3A_316 = vector.broadcast %add3A_315 : i32 to vector<16xi32>
        %add3A_317 = arith.addi %mul3A_263, %add3A_316 : vector<16xi32>
        %gather3A_318 = tpu.vector_load_idx %arg6[%add3A_317] : memref<512xf32, #tpu.memory_space<vmem>>[vector<16xi32>], vector<16xf32>,
        %max3A_319 = arith.maximumf %max3A_314, %gather3A_318 : vector<16xf32>
        %add3A_320 = arith.constant 12 : i32
        %add3A_321 = vector.broadcast %add3A_320 : i32 to vector<16xi32>
        %add3A_322 = arith.addi %mul3A_263, %add3A_321 : vector<16xi32>
        %gather3A_323 = tpu.vector_load_idx %arg6[%add3A_322] : memref<512xf32, #tpu.memory_space<vmem>>[vector<16xi32>], vector<16xf32>,
        %max3A_324 = arith.maximumf %max3A_319, %gather3A_323 : vector<16xf32>
        %add3A_325 = arith.constant 13 : i32
        %add3A_326 = vector.broadcast %add3A_325 : i32 to vector<16xi32>
        %add3A_327 = arith.addi %mul3A_263, %add3A_326 : vector<16xi32>
        %gather3A_328 = tpu.vector_load_idx %arg6[%add3A_327] : memref<512xf32, #tpu.memory_space<vmem>>[vector<16xi32>], vector<16xf32>,
        %max3A_329 = arith.maximumf %max3A_324, %gather3A_328 : vector<16xf32>
        %add3A_330 = arith.constant 14 : i32
        %add3A_331 = vector.broadcast %add3A_330 : i32 to vector<16xi32>
        %add3A_332 = arith.addi %mul3A_263, %add3A_331 : vector<16xi32>
        %gather3A_333 = tpu.vector_load_idx %arg6[%add3A_332] : memref<512xf32, #tpu.memory_space<vmem>>[vector<16xi32>], vector<16xf32>,
        %max3A_334 = arith.maximumf %max3A_329, %gather3A_333 : vector<16xf32>
        %add3A_335 = arith.constant 15 : i32
        %add3A_336 = vector.broadcast %add3A_335 : i32 to vector<16xi32>
        %add3A_337 = arith.addi %mul3A_263, %add3A_336 : vector<16xi32>
        %gather3A_338 = tpu.vector_load_idx %arg6[%add3A_337] : memref<512xf32, #tpu.memory_space<vmem>>[vector<16xi32>], vector<16xf32>,
        %max3A_339 = arith.maximumf %max3A_334, %gather3A_338 : vector<16xf32>
        %mul3A_340 = arith.constant 16 : i32
        %mul3A_341 = arith.muli %scan3A_255, %mul3A_340 : i32
        %swap3A_342 = arith.index_cast %mul3A_341 : i32 to index
        %swap3A_343 = tpu.vector_load %arg7[%swap3A_342] {strides = array<i32>} : memref<32xf32, #tpu.memory_space<vmem>>, vector<16xf32>,
        tpu.vector_store %arg7[%swap3A_342], %max3A_339 {strides = array<i32>} : memref<32xf32, #tpu.memory_space<vmem>>, vector<16xf32>,
        %scan3A_344 = arith.constant 0 : i32
        scf.yield %scan3A_344 : i32
      }
      %scan3A_231 = arith.constant 2 : i32
      %iota3A_232 = tpu.iota {dimensions = array<i32: 0>} : vector<16xi32>
      %eq3A_233 = arith.constant 0 : i32
      %eq3A_234 = vector.broadcast %eq3A_233 : i32 to vector<16xi32>
      %eq3A_235 = arith.cmpi eq, %iota3A_232, %eq3A_234 : vector<16xi32>
      %scan3A_236 = arith.constant 0 : i32
      %scan3A_237 = arith.constant 0 : i32
      %scan3A_238 = arith.constant 33 : i32
      %scan3A_239 = arith.addi %scan3A_237, %scan3A_238 : i32
      %scan3A_240 = arith.constant 1 : i32
      %scan3A_241 = scf.for %scan3A_255 = %scan3A_237 to %scan3A_239 step %scan3A_240 iter_args(%scan3A_256 = %scan3A_236) -> (i32)  : i32 {
        %get3A = arith.constant 0 : index
        %get3A_257 = tpu.vector_load %arg7[%get3A] {strides = array<i32>} : memref<32xf32, #tpu.memory_space<vmem>>, vector<16xf32>,
        %get3A_258 = arith.constant 16 : index
        %get3A_259 = tpu.vector_load %arg7[%get3A_258] {strides = array<i32>} : memref<32xf32, #tpu.memory_space<vmem>>, vector<16xf32>,
        %max3A_260 = arith.maximumf %get3A_257, %get3A_259 : vector<16xf32>
        %reduce_max3A = arith.constant true
        %reduce_max3A_261 = vector.broadcast %reduce_max3A : i1 to vector<16xi1>
        %reduce_max3A_262 = tpu.scan <max>, %max3A_260 masked %reduce_max3A_261 : vector<16xf32>, vector<16xi1> -> vector<16xf32>
        %reduce_max3A_263 = vector.extract %reduce_max3A_262[15] : f32 from vector<16xf32>
        %eq3A_264 = vector.broadcast %reduce_max3A_263 : f32 to vector<16xf32>
        %eq3A_265 = arith.cmpf oeq, %get3A_257, %eq3A_264 : vector<16xf32>
        %all_reduce_ffs3A = tpu.all_reduce %eq3A_265 {dim = 0 : i64, kind = #tpu.reduction_kind<find_first_set>} : vector<16xi1> -> vector<16xi32>
        %slice3A = vector.extract_strided_slice %all_reduce_ffs3A {offsets = [0], sizes = [1], strides = [1]} : vector<16xi32> to vector<1xi32>
        %squeeze3A = vector.extract %slice3A[0] : i32 from vector<1xi32>
        %eq3A_266 = vector.broadcast %reduce_max3A_263 : f32 to vector<16xf32>
        %eq3A_267 = arith.cmpf oeq, %get3A_259, %eq3A_266 : vector<16xf32>
        %all_reduce_ffs3A_268 = tpu.all_reduce %eq3A_267 {dim = 0 : i64, kind = #tpu.reduction_kind<find_first_set>} : vector<16xi1> -> vector<16xi32>
        %slice3A_269 = vector.extract_strided_slice %all_reduce_ffs3A_268 {offsets = [0], sizes = [1], strides = [1]} : vector<16xi32> to vector<1xi32>
        %squeeze3A_270 = vector.extract %slice3A_269[0] : i32 from vector<1xi32>
        %lt3A = arith.constant 16 : i32
        %lt3A_271 = arith.cmpi slt, %squeeze3A, %lt3A : i32
        %add3A_272 = arith.constant 16 : i32
        %add3A_273 = arith.addi %add3A_272, %squeeze3A_270 : i32
        %select_n3A = arith.select %lt3A_271, %squeeze3A, %add3A_273 : i32
        %mul3A_274 = arith.constant 16 : i32
        %mul3A_275 = arith.muli %select_n3A, %mul3A_274 : i32
        %get3A_276 = arith.index_cast %mul3A_275 : i32 to index
        %get3A_277 = tpu.vector_load %arg6[%get3A_276] {strides = array<i32>} : memref<512xf32, #tpu.memory_space<vmem>>, vector<16xf32>,
        %eq3A_278 = vector.broadcast %reduce_max3A_263 : f32 to vector<16xf32>
        %eq3A_279 = arith.cmpf oeq, %get3A_277, %eq3A_278 : vector<16xf32>
        %all_reduce_ffs3A_280 = tpu.all_reduce %eq3A_279 {dim = 0 : i64, kind = #tpu.reduction_kind<find_first_set>} : vector<16xi1> -> vector<16xi32>
        %slice3A_281 = vector.extract_strided_slice %all_reduce_ffs3A_280 {offsets = [0], sizes = [1], strides = [1]} : vector<16xi32> to vector<1xi32>
        %squeeze3A_282 = vector.extract %slice3A_281[0] : i32 from vector<1xi32>
        %mul3A_283 = arith.constant 16 : i32
        %mul3A_284 = arith.muli %select_n3A, %mul3A_283 : i32
        %add3A_285 = arith.addi %mul3A_284, %squeeze3A_282 : i32
        %mul3A_286 = arith.constant 16 : i32
        %mul3A_287 = arith.muli %add3A_285, %mul3A_286 : i32
        %get3A_288 = arith.index_cast %mul3A_287 : i32 to index
        %get3A_289 = tpu.vector_load %arg4[%get3A_288] {strides = array<i32>} : memref<6400xf32, #tpu.memory_space<vmem>>, vector<16xf32>,
        %eq3A_290 = vector.broadcast %reduce_max3A_263 : f32 to vector<16xf32>
        %eq3A_291 = arith.cmpf oeq, %get3A_289, %eq3A_290 : vector<16xf32>
        %all_reduce_ffs3A_292 = tpu.all_reduce %eq3A_291 {dim = 0 : i64, kind = #tpu.reduction_kind<find_first_set>} : vector<16xi1> -> vector<16xi32>
        %slice3A_293 = vector.extract_strided_slice %all_reduce_ffs3A_292 {offsets = [0], sizes = [1], strides = [1]} : vector<16xi32> to vector<1xi32>
        %squeeze3A_294 = vector.extract %slice3A_293[0] : i32 from vector<1xi32>
        %mul3A_295 = arith.constant 16 : i32
        %mul3A_296 = arith.muli %add3A_285, %mul3A_295 : i32
        %add3A_297 = arith.addi %mul3A_296, %squeeze3A_294 : i32
        %broadcast_in_dim3A_298 = vector.broadcast %scan3A_255 : i32 to vector<16xi32>
        %broadcast_in_dim3A_299 = vector.broadcast %reduce_max3A_263 : f32 to vector<16xf32>
        tpu.vector_store_idx %arg8[%broadcast_in_dim3A_298], %broadcast_in_dim3A_299 masked %eq3A_235 : memref<48xf32, #tpu.memory_space<vmem>>[vector<16xi32>], vector<16xf32>, vector<16xi1>
        %broadcast_in_dim3A_300 = vector.broadcast %scan3A_255 : i32 to vector<16xi32>
        %add3A_301 = arith.addi %mul3A_0, %add3A_297 : i32
        %broadcast_in_dim3A_302 = vector.broadcast %add3A_301 : i32 to vector<16xi32>
        tpu.vector_store_idx %arg9[%broadcast_in_dim3A_300], %broadcast_in_dim3A_302 masked %eq3A_235 : memref<48xi32, #tpu.memory_space<vmem>>[vector<16xi32>], vector<16xi32>, vector<16xi1>
        %broadcast_in_dim3A_303 = vector.broadcast %add3A_297 : i32 to vector<16xi32>
        %broadcast_in_dim3A_304 = arith.constant 0xFF800000 : f32
        %broadcast_in_dim3A_305 = vector.broadcast %broadcast_in_dim3A_304 : f32 to vector<16xf32>
        tpu.vector_store_idx %arg4[%broadcast_in_dim3A_303], %broadcast_in_dim3A_305 masked %eq3A_235 : memref<6400xf32, #tpu.memory_space<vmem>>[vector<16xi32>], vector<16xf32>, vector<16xi1>
        %eq3A_306 = vector.broadcast %squeeze3A_294 : i32 to vector<16xi32>
        %eq3A_307 = arith.cmpi eq, %iota3A_232, %eq3A_306 : vector<16xi32>
        %jit3A = arith.constant 0xFF800000 : f32
        %broadcast_in_dim3A_308 = vector.broadcast %jit3A : f32 to vector<16xf32>
        %select_n3A_309 = arith.select %eq3A_307, %broadcast_in_dim3A_308, %get3A_289 : vector<16xi1>, vector<16xf32>
        %reduce_max3A_310 = arith.constant true
        %reduce_max3A_311 = vector.broadcast %reduce_max3A_310 : i1 to vector<16xi1>
        %reduce_max3A_312 = tpu.scan <max>, %select_n3A_309 masked %reduce_max3A_311 : vector<16xf32>, vector<16xi1> -> vector<16xf32>
        %reduce_max3A_313 = vector.extract %reduce_max3A_312[15] : f32 from vector<16xf32>
        %broadcast_in_dim3A_314 = vector.broadcast %add3A_285 : i32 to vector<16xi32>
        %broadcast_in_dim3A_315 = vector.broadcast %reduce_max3A_313 : f32 to vector<16xf32>
        tpu.vector_store_idx %arg6[%broadcast_in_dim3A_314], %broadcast_in_dim3A_315 masked %eq3A_235 : memref<512xf32, #tpu.memory_space<vmem>>[vector<16xi32>], vector<16xf32>, vector<16xi1>
        %eq3A_316 = vector.broadcast %squeeze3A_282 : i32 to vector<16xi32>
        %eq3A_317 = arith.cmpi eq, %iota3A_232, %eq3A_316 : vector<16xi32>
        %broadcast_in_dim3A_318 = vector.broadcast %reduce_max3A_313 : f32 to vector<16xf32>
        %select_n3A_319 = arith.select %eq3A_317, %broadcast_in_dim3A_318, %get3A_277 : vector<16xi1>, vector<16xf32>
        %reduce_max3A_320 = arith.constant true
        %reduce_max3A_321 = vector.broadcast %reduce_max3A_320 : i1 to vector<16xi1>
        %reduce_max3A_322 = tpu.scan <max>, %select_n3A_319 masked %reduce_max3A_321 : vector<16xf32>, vector<16xi1> -> vector<16xf32>
        %reduce_max3A_323 = vector.extract %reduce_max3A_322[15] : f32 from vector<16xf32>
        %broadcast_in_dim3A_324 = vector.broadcast %select_n3A : i32 to vector<16xi32>
        %broadcast_in_dim3A_325 = vector.broadcast %reduce_max3A_323 : f32 to vector<16xf32>
        tpu.vector_store_idx %arg7[%broadcast_in_dim3A_324], %broadcast_in_dim3A_325 masked %eq3A_235 : memref<32xf32, #tpu.memory_space<vmem>>[vector<16xi32>], vector<16xf32>, vector<16xi1>
        %scan3A_326 = arith.constant 0 : i32
        scf.yield %scan3A_326 : i32
      }
      %scan3A_242 = arith.constant 33 : i32
      %mul3A_243 = arith.constant 48 : i32
      %mul3A_244 = arith.muli %arg1, %mul3A_243 : i32
      %dma_start3A_245 = tpu.memref_slice %arg14[%mul3A_244] : memref<768xf32, #tpu.memory_space<vmem_shared>> -> memref<48xf32, #tpu.memory_space<vmem_shared>>
      %dma_start3A_246 = tpu.memref_slice %arg14[%mul3A_244] : memref<768xf32, #tpu.memory_space<vmem_shared>> -> memref<48xf32, #tpu.memory_space<vmem_shared>>
      tpu.enqueue_dma source(%arg8 : memref<48xf32, #tpu.memory_space<vmem>>) target(%dma_start3A_246 : memref<48xf32, #tpu.memory_space<vmem_shared>>) target_semaphore(%arg16 : memref<!tpu.dma_semaphore, #tpu.memory_space<semaphore_mem>>)
      %mul3A_247 = arith.constant 48 : i32
      %mul3A_248 = arith.muli %arg1, %mul3A_247 : i32
      %dma_start3A_249 = tpu.memref_slice %arg15[%mul3A_248] : memref<768xi32, #tpu.memory_space<vmem_shared>> -> memref<48xi32, #tpu.memory_space<vmem_shared>>
      %dma_start3A_250 = tpu.memref_slice %arg15[%mul3A_248] : memref<768xi32, #tpu.memory_space<vmem_shared>> -> memref<48xi32, #tpu.memory_space<vmem_shared>>
      tpu.enqueue_dma source(%arg9 : memref<48xi32, #tpu.memory_space<vmem>>) target(%dma_start3A_250 : memref<48xi32, #tpu.memory_space<vmem_shared>>) target_semaphore(%arg16 : memref<!tpu.dma_semaphore, #tpu.memory_space<semaphore_mem>>)
      %dma_wait3A_251 = tpu.memref_slice %arg14[%mul3A_244] : memref<768xf32, #tpu.memory_space<vmem_shared>> -> memref<48xf32, #tpu.memory_space<vmem_shared>>
      %dma_wait3A_252 = tpu.memref_slice %arg14[%mul3A_244] : memref<768xf32, #tpu.memory_space<vmem_shared>> -> memref<48xf32, #tpu.memory_space<vmem_shared>>
      tpu.wait_dma2 semaphore(%arg16 : memref<!tpu.dma_semaphore, #tpu.memory_space<semaphore_mem>>) src(%arg8 : memref<48xf32, #tpu.memory_space<vmem>>) dst(%dma_wait3A_252 : memref<48xf32, #tpu.memory_space<vmem_shared>>)
      %dma_wait3A_253 = tpu.memref_slice %arg15[%mul3A_248] : memref<768xi32, #tpu.memory_space<vmem_shared>> -> memref<48xi32, #tpu.memory_space<vmem_shared>>
      %dma_wait3A_254 = tpu.memref_slice %arg15[%mul3A_248] : memref<768xi32, #tpu.memory_space<vmem_shared>> -> memref<48xi32, #tpu.memory_space<vmem_shared>>
      tpu.wait_dma2 semaphore(%arg16 : memref<!tpu.dma_semaphore, #tpu.memory_space<semaphore_mem>>) src(%arg9 : memref<48xi32, #tpu.memory_space<vmem>>) dst(%dma_wait3A_254 : memref<48xi32, #tpu.memory_space<vmem_shared>>)
    } else {
    }
    %barrier3A = arith.constant 0 : index
    tpu.barrier barrier_id(%barrier3A)
    %eq3A_3 = arith.constant 0 : i32
    %eq3A_4 = arith.cmpi eq, %arg0, %eq3A_3 : i32
    %convert_element_type3A_5 = arith.extui %eq3A_4 : i1 to i32
    %cond3A_6 = arith.constant 0 : i32
    %cond3A_7 = arith.cmpi ne, %convert_element_type3A_5, %cond3A_6 : i32
    scf.if %cond3A_7 {
      tpu.enqueue_dma source(%arg14 : memref<768xf32, #tpu.memory_space<vmem_shared>>) target(%arg10 : memref<768xf32, #tpu.memory_space<vmem>>) target_semaphore(%arg16 : memref<!tpu.dma_semaphore, #tpu.memory_space<semaphore_mem>>)
      tpu.enqueue_dma source(%arg15 : memref<768xi32, #tpu.memory_space<vmem_shared>>) target(%arg11 : memref<768xi32, #tpu.memory_space<vmem>>) target_semaphore(%arg16 : memref<!tpu.dma_semaphore, #tpu.memory_space<semaphore_mem>>)
      %broadcast_in_dim3A = arith.constant 0xFF800000 : f32
      %broadcast_in_dim3A_8 = vector.broadcast %broadcast_in_dim3A : f32 to vector<16xf32>
      %swap3A = arith.constant 0 : index
      %swap3A_9 = tpu.vector_load %arg12[%swap3A] {strides = array<i32>} : memref<256xf32, #tpu.memory_space<vmem>>, vector<16xf32>,
      tpu.vector_store %arg12[%swap3A], %broadcast_in_dim3A_8 {strides = array<i32>} : memref<256xf32, #tpu.memory_space<vmem>>, vector<16xf32>,
      %swap3A_10 = arith.constant 16 : index
      %swap3A_11 = tpu.vector_load %arg12[%swap3A_10] {strides = array<i32>} : memref<256xf32, #tpu.memory_space<vmem>>, vector<16xf32>,
      tpu.vector_store %arg12[%swap3A_10], %broadcast_in_dim3A_8 {strides = array<i32>} : memref<256xf32, #tpu.memory_space<vmem>>, vector<16xf32>,
      %swap3A_12 = arith.constant 32 : index
      %swap3A_13 = tpu.vector_load %arg12[%swap3A_12] {strides = array<i32>} : memref<256xf32, #tpu.memory_space<vmem>>, vector<16xf32>,
      tpu.vector_store %arg12[%swap3A_12], %broadcast_in_dim3A_8 {strides = array<i32>} : memref<256xf32, #tpu.memory_space<vmem>>, vector<16xf32>,
      %swap3A_14 = arith.constant 48 : index
      %swap3A_15 = tpu.vector_load %arg12[%swap3A_14] {strides = array<i32>} : memref<256xf32, #tpu.memory_space<vmem>>, vector<16xf32>,
      tpu.vector_store %arg12[%swap3A_14], %broadcast_in_dim3A_8 {strides = array<i32>} : memref<256xf32, #tpu.memory_space<vmem>>, vector<16xf32>,
      %swap3A_16 = arith.constant 64 : index
      %swap3A_17 = tpu.vector_load %arg12[%swap3A_16] {strides = array<i32>} : memref<256xf32, #tpu.memory_space<vmem>>, vector<16xf32>,
      tpu.vector_store %arg12[%swap3A_16], %broadcast_in_dim3A_8 {strides = array<i32>} : memref<256xf32, #tpu.memory_space<vmem>>, vector<16xf32>,
      %swap3A_18 = arith.constant 80 : index
      %swap3A_19 = tpu.vector_load %arg12[%swap3A_18] {strides = array<i32>} : memref<256xf32, #tpu.memory_space<vmem>>, vector<16xf32>,
      tpu.vector_store %arg12[%swap3A_18], %broadcast_in_dim3A_8 {strides = array<i32>} : memref<256xf32, #tpu.memory_space<vmem>>, vector<16xf32>,
      %swap3A_20 = arith.constant 96 : index
      %swap3A_21 = tpu.vector_load %arg12[%swap3A_20] {strides = array<i32>} : memref<256xf32, #tpu.memory_space<vmem>>, vector<16xf32>,
      tpu.vector_store %arg12[%swap3A_20], %broadcast_in_dim3A_8 {strides = array<i32>} : memref<256xf32, #tpu.memory_space<vmem>>, vector<16xf32>,
      %swap3A_22 = arith.constant 112 : index
      %swap3A_23 = tpu.vector_load %arg12[%swap3A_22] {strides = array<i32>} : memref<256xf32, #tpu.memory_space<vmem>>, vector<16xf32>,
      tpu.vector_store %arg12[%swap3A_22], %broadcast_in_dim3A_8 {strides = array<i32>} : memref<256xf32, #tpu.memory_space<vmem>>, vector<16xf32>,
      %swap3A_24 = arith.constant 128 : index
      %swap3A_25 = tpu.vector_load %arg12[%swap3A_24] {strides = array<i32>} : memref<256xf32, #tpu.memory_space<vmem>>, vector<16xf32>,
      tpu.vector_store %arg12[%swap3A_24], %broadcast_in_dim3A_8 {strides = array<i32>} : memref<256xf32, #tpu.memory_space<vmem>>, vector<16xf32>,
      %swap3A_26 = arith.constant 144 : index
      %swap3A_27 = tpu.vector_load %arg12[%swap3A_26] {strides = array<i32>} : memref<256xf32, #tpu.memory_space<vmem>>, vector<16xf32>,
      tpu.vector_store %arg12[%swap3A_26], %broadcast_in_dim3A_8 {strides = array<i32>} : memref<256xf32, #tpu.memory_space<vmem>>, vector<16xf32>,
      %swap3A_28 = arith.constant 160 : index
      %swap3A_29 = tpu.vector_load %arg12[%swap3A_28] {strides = array<i32>} : memref<256xf32, #tpu.memory_space<vmem>>, vector<16xf32>,
      tpu.vector_store %arg12[%swap3A_28], %broadcast_in_dim3A_8 {strides = array<i32>} : memref<256xf32, #tpu.memory_space<vmem>>, vector<16xf32>,
      %swap3A_30 = arith.constant 176 : index
      %swap3A_31 = tpu.vector_load %arg12[%swap3A_30] {strides = array<i32>} : memref<256xf32, #tpu.memory_space<vmem>>, vector<16xf32>,
      tpu.vector_store %arg12[%swap3A_30], %broadcast_in_dim3A_8 {strides = array<i32>} : memref<256xf32, #tpu.memory_space<vmem>>, vector<16xf32>,
      %swap3A_32 = arith.constant 192 : index
      %swap3A_33 = tpu.vector_load %arg12[%swap3A_32] {strides = array<i32>} : memref<256xf32, #tpu.memory_space<vmem>>, vector<16xf32>,
      tpu.vector_store %arg12[%swap3A_32], %broadcast_in_dim3A_8 {strides = array<i32>} : memref<256xf32, #tpu.memory_space<vmem>>, vector<16xf32>,
      %swap3A_34 = arith.constant 208 : index
      %swap3A_35 = tpu.vector_load %arg12[%swap3A_34] {strides = array<i32>} : memref<256xf32, #tpu.memory_space<vmem>>, vector<16xf32>,
      tpu.vector_store %arg12[%swap3A_34], %broadcast_in_dim3A_8 {strides = array<i32>} : memref<256xf32, #tpu.memory_space<vmem>>, vector<16xf32>,
      %swap3A_36 = arith.constant 224 : index
      %swap3A_37 = tpu.vector_load %arg12[%swap3A_36] {strides = array<i32>} : memref<256xf32, #tpu.memory_space<vmem>>, vector<16xf32>,
      tpu.vector_store %arg12[%swap3A_36], %broadcast_in_dim3A_8 {strides = array<i32>} : memref<256xf32, #tpu.memory_space<vmem>>, vector<16xf32>,
      %swap3A_38 = arith.constant 240 : index
      %swap3A_39 = tpu.vector_load %arg12[%swap3A_38] {strides = array<i32>} : memref<256xf32, #tpu.memory_space<vmem>>, vector<16xf32>,
      tpu.vector_store %arg12[%swap3A_38], %broadcast_in_dim3A_8 {strides = array<i32>} : memref<256xf32, #tpu.memory_space<vmem>>, vector<16xf32>,
      tpu.wait_dma2 semaphore(%arg16 : memref<!tpu.dma_semaphore, #tpu.memory_space<semaphore_mem>>) src(%arg14 : memref<768xf32, #tpu.memory_space<vmem_shared>>) dst(%arg10 : memref<768xf32, #tpu.memory_space<vmem>>)
      tpu.wait_dma2 semaphore(%arg16 : memref<!tpu.dma_semaphore, #tpu.memory_space<semaphore_mem>>) src(%arg15 : memref<768xi32, #tpu.memory_space<vmem_shared>>) dst(%arg11 : memref<768xi32, #tpu.memory_space<vmem>>)
      %iota3A = tpu.iota {dimensions = array<i32: 0>} : vector<16xi32>
      %scan3A = arith.constant 0 : i32
      %scan3A_40 = arith.constant 0 : i32
      %scan3A_41 = arith.constant 3 : i32
      %scan3A_42 = arith.addi %scan3A_40, %scan3A_41 : i32
      %scan3A_43 = arith.constant 1 : i32
      %scan3A_44 = scf.for %scan3A_203 = %scan3A_40 to %scan3A_42 step %scan3A_43 iter_args(%scan3A_204 = %scan3A) -> (i32)  : i32 {
        %mul3A_205 = arith.constant 16 : i32
        %mul3A_206 = arith.muli %scan3A_203, %mul3A_205 : i32
        %add3A_207 = vector.broadcast %mul3A_206 : i32 to vector<16xi32>
        %add3A_208 = arith.addi %add3A_207, %iota3A : vector<16xi32>
        %mul3A_209 = arith.constant 16 : i32
        %mul3A_210 = vector.broadcast %mul3A_209 : i32 to vector<16xi32>
        %mul3A_211 = arith.muli %add3A_208, %mul3A_210 : vector<16xi32>
        %gather3A_212 = tpu.vector_load_idx %arg10[%mul3A_211] : memref<768xf32, #tpu.memory_space<vmem>>[vector<16xi32>], vector<16xf32>,
        %add3A_213 = arith.constant 1 : i32
        %add3A_214 = vector.broadcast %add3A_213 : i32 to vector<16xi32>
        %add3A_215 = arith.addi %mul3A_211, %add3A_214 : vector<16xi32>
        %gather3A_216 = tpu.vector_load_idx %arg10[%add3A_215] : memref<768xf32, #tpu.memory_space<vmem>>[vector<16xi32>], vector<16xf32>,
        %max3A_217 = arith.maximumf %gather3A_212, %gather3A_216 : vector<16xf32>
        %add3A_218 = arith.constant 2 : i32
        %add3A_219 = vector.broadcast %add3A_218 : i32 to vector<16xi32>
        %add3A_220 = arith.addi %mul3A_211, %add3A_219 : vector<16xi32>
        %gather3A_221 = tpu.vector_load_idx %arg10[%add3A_220] : memref<768xf32, #tpu.memory_space<vmem>>[vector<16xi32>], vector<16xf32>,
        %max3A_222 = arith.maximumf %max3A_217, %gather3A_221 : vector<16xf32>
        %add3A_223 = arith.constant 3 : i32
        %add3A_224 = vector.broadcast %add3A_223 : i32 to vector<16xi32>
        %add3A_225 = arith.addi %mul3A_211, %add3A_224 : vector<16xi32>
        %gather3A_226 = tpu.vector_load_idx %arg10[%add3A_225] : memref<768xf32, #tpu.memory_space<vmem>>[vector<16xi32>], vector<16xf32>,
        %max3A_227 = arith.maximumf %max3A_222, %gather3A_226 : vector<16xf32>
        %add3A_228 = arith.constant 4 : i32
        %add3A_229 = vector.broadcast %add3A_228 : i32 to vector<16xi32>
        %add3A_230 = arith.addi %mul3A_211, %add3A_229 : vector<16xi32>
        %gather3A_231 = tpu.vector_load_idx %arg10[%add3A_230] : memref<768xf32, #tpu.memory_space<vmem>>[vector<16xi32>], vector<16xf32>,
        %max3A_232 = arith.maximumf %max3A_227, %gather3A_231 : vector<16xf32>
        %add3A_233 = arith.constant 5 : i32
        %add3A_234 = vector.broadcast %add3A_233 : i32 to vector<16xi32>
        %add3A_235 = arith.addi %mul3A_211, %add3A_234 : vector<16xi32>
        %gather3A_236 = tpu.vector_load_idx %arg10[%add3A_235] : memref<768xf32, #tpu.memory_space<vmem>>[vector<16xi32>], vector<16xf32>,
        %max3A_237 = arith.maximumf %max3A_232, %gather3A_236 : vector<16xf32>
        %add3A_238 = arith.constant 6 : i32
        %add3A_239 = vector.broadcast %add3A_238 : i32 to vector<16xi32>
        %add3A_240 = arith.addi %mul3A_211, %add3A_239 : vector<16xi32>
        %gather3A_241 = tpu.vector_load_idx %arg10[%add3A_240] : memref<768xf32, #tpu.memory_space<vmem>>[vector<16xi32>], vector<16xf32>,
        %max3A_242 = arith.maximumf %max3A_237, %gather3A_241 : vector<16xf32>
        %add3A_243 = arith.constant 7 : i32
        %add3A_244 = vector.broadcast %add3A_243 : i32 to vector<16xi32>
        %add3A_245 = arith.addi %mul3A_211, %add3A_244 : vector<16xi32>
        %gather3A_246 = tpu.vector_load_idx %arg10[%add3A_245] : memref<768xf32, #tpu.memory_space<vmem>>[vector<16xi32>], vector<16xf32>,
        %max3A_247 = arith.maximumf %max3A_242, %gather3A_246 : vector<16xf32>
        %add3A_248 = arith.constant 8 : i32
        %add3A_249 = vector.broadcast %add3A_248 : i32 to vector<16xi32>
        %add3A_250 = arith.addi %mul3A_211, %add3A_249 : vector<16xi32>
        %gather3A_251 = tpu.vector_load_idx %arg10[%add3A_250] : memref<768xf32, #tpu.memory_space<vmem>>[vector<16xi32>], vector<16xf32>,
        %max3A_252 = arith.maximumf %max3A_247, %gather3A_251 : vector<16xf32>
        %add3A_253 = arith.constant 9 : i32
        %add3A_254 = vector.broadcast %add3A_253 : i32 to vector<16xi32>
        %add3A_255 = arith.addi %mul3A_211, %add3A_254 : vector<16xi32>
        %gather3A_256 = tpu.vector_load_idx %arg10[%add3A_255] : memref<768xf32, #tpu.memory_space<vmem>>[vector<16xi32>], vector<16xf32>,
        %max3A_257 = arith.maximumf %max3A_252, %gather3A_256 : vector<16xf32>
        %add3A_258 = arith.constant 10 : i32
        %add3A_259 = vector.broadcast %add3A_258 : i32 to vector<16xi32>
        %add3A_260 = arith.addi %mul3A_211, %add3A_259 : vector<16xi32>
        %gather3A_261 = tpu.vector_load_idx %arg10[%add3A_260] : memref<768xf32, #tpu.memory_space<vmem>>[vector<16xi32>], vector<16xf32>,
        %max3A_262 = arith.maximumf %max3A_257, %gather3A_261 : vector<16xf32>
        %add3A_263 = arith.constant 11 : i32
        %add3A_264 = vector.broadcast %add3A_263 : i32 to vector<16xi32>
        %add3A_265 = arith.addi %mul3A_211, %add3A_264 : vector<16xi32>
        %gather3A_266 = tpu.vector_load_idx %arg10[%add3A_265] : memref<768xf32, #tpu.memory_space<vmem>>[vector<16xi32>], vector<16xf32>,
        %max3A_267 = arith.maximumf %max3A_262, %gather3A_266 : vector<16xf32>
        %add3A_268 = arith.constant 12 : i32
        %add3A_269 = vector.broadcast %add3A_268 : i32 to vector<16xi32>
        %add3A_270 = arith.addi %mul3A_211, %add3A_269 : vector<16xi32>
        %gather3A_271 = tpu.vector_load_idx %arg10[%add3A_270] : memref<768xf32, #tpu.memory_space<vmem>>[vector<16xi32>], vector<16xf32>,
        %max3A_272 = arith.maximumf %max3A_267, %gather3A_271 : vector<16xf32>
        %add3A_273 = arith.constant 13 : i32
        %add3A_274 = vector.broadcast %add3A_273 : i32 to vector<16xi32>
        %add3A_275 = arith.addi %mul3A_211, %add3A_274 : vector<16xi32>
        %gather3A_276 = tpu.vector_load_idx %arg10[%add3A_275] : memref<768xf32, #tpu.memory_space<vmem>>[vector<16xi32>], vector<16xf32>,
        %max3A_277 = arith.maximumf %max3A_272, %gather3A_276 : vector<16xf32>
        %add3A_278 = arith.constant 14 : i32
        %add3A_279 = vector.broadcast %add3A_278 : i32 to vector<16xi32>
        %add3A_280 = arith.addi %mul3A_211, %add3A_279 : vector<16xi32>
        %gather3A_281 = tpu.vector_load_idx %arg10[%add3A_280] : memref<768xf32, #tpu.memory_space<vmem>>[vector<16xi32>], vector<16xf32>,
        %max3A_282 = arith.maximumf %max3A_277, %gather3A_281 : vector<16xf32>
        %add3A_283 = arith.constant 15 : i32
        %add3A_284 = vector.broadcast %add3A_283 : i32 to vector<16xi32>
        %add3A_285 = arith.addi %mul3A_211, %add3A_284 : vector<16xi32>
        %gather3A_286 = tpu.vector_load_idx %arg10[%add3A_285] : memref<768xf32, #tpu.memory_space<vmem>>[vector<16xi32>], vector<16xf32>,
        %max3A_287 = arith.maximumf %max3A_282, %gather3A_286 : vector<16xf32>
        %mul3A_288 = arith.constant 16 : i32
        %mul3A_289 = arith.muli %scan3A_203, %mul3A_288 : i32
        %swap3A_290 = arith.index_cast %mul3A_289 : i32 to index
        %swap3A_291 = tpu.vector_load %arg12[%swap3A_290] {strides = array<i32>} : memref<256xf32, #tpu.memory_space<vmem>>, vector<16xf32>,
        tpu.vector_store %arg12[%swap3A_290], %max3A_287 {strides = array<i32>} : memref<256xf32, #tpu.memory_space<vmem>>, vector<16xf32>,
        %scan3A_292 = arith.constant 0 : i32
        scf.yield %scan3A_292 : i32
      }
      %scan3A_45 = arith.constant 3 : i32
      %iota3A_46 = tpu.iota {dimensions = array<i32: 0>} : vector<16xi32>
      %scan3A_47 = arith.constant 0 : i32
      %scan3A_48 = arith.constant 0 : i32
      %mul3A_49 = arith.constant 16 : i32
      %mul3A_50 = arith.muli %scan3A_48, %mul3A_49 : i32
      %add3A = vector.broadcast %mul3A_50 : i32 to vector<16xi32>
      %add3A_51 = arith.addi %add3A, %iota3A_46 : vector<16xi32>
      %mul3A_52 = arith.constant 16 : i32
      %mul3A_53 = vector.broadcast %mul3A_52 : i32 to vector<16xi32>
      %mul3A_54 = arith.muli %add3A_51, %mul3A_53 : vector<16xi32>
      %gather3A = tpu.vector_load_idx %arg12[%mul3A_54] : memref<256xf32, #tpu.memory_space<vmem>>[vector<16xi32>], vector<16xf32>,
      %add3A_55 = arith.constant 1 : i32
      %add3A_56 = vector.broadcast %add3A_55 : i32 to vector<16xi32>
      %add3A_57 = arith.addi %mul3A_54, %add3A_56 : vector<16xi32>
      %gather3A_58 = tpu.vector_load_idx %arg12[%add3A_57] : memref<256xf32, #tpu.memory_space<vmem>>[vector<16xi32>], vector<16xf32>,
      %max3A = arith.maximumf %gather3A, %gather3A_58 : vector<16xf32>
      %add3A_59 = arith.constant 2 : i32
      %add3A_60 = vector.broadcast %add3A_59 : i32 to vector<16xi32>
      %add3A_61 = arith.addi %mul3A_54, %add3A_60 : vector<16xi32>
      %gather3A_62 = tpu.vector_load_idx %arg12[%add3A_61] : memref<256xf32, #tpu.memory_space<vmem>>[vector<16xi32>], vector<16xf32>,
      %max3A_63 = arith.maximumf %max3A, %gather3A_62 : vector<16xf32>
      %add3A_64 = arith.constant 3 : i32
      %add3A_65 = vector.broadcast %add3A_64 : i32 to vector<16xi32>
      %add3A_66 = arith.addi %mul3A_54, %add3A_65 : vector<16xi32>
      %gather3A_67 = tpu.vector_load_idx %arg12[%add3A_66] : memref<256xf32, #tpu.memory_space<vmem>>[vector<16xi32>], vector<16xf32>,
      %max3A_68 = arith.maximumf %max3A_63, %gather3A_67 : vector<16xf32>
      %add3A_69 = arith.constant 4 : i32
      %add3A_70 = vector.broadcast %add3A_69 : i32 to vector<16xi32>
      %add3A_71 = arith.addi %mul3A_54, %add3A_70 : vector<16xi32>
      %gather3A_72 = tpu.vector_load_idx %arg12[%add3A_71] : memref<256xf32, #tpu.memory_space<vmem>>[vector<16xi32>], vector<16xf32>,
      %max3A_73 = arith.maximumf %max3A_68, %gather3A_72 : vector<16xf32>
      %add3A_74 = arith.constant 5 : i32
      %add3A_75 = vector.broadcast %add3A_74 : i32 to vector<16xi32>
      %add3A_76 = arith.addi %mul3A_54, %add3A_75 : vector<16xi32>
      %gather3A_77 = tpu.vector_load_idx %arg12[%add3A_76] : memref<256xf32, #tpu.memory_space<vmem>>[vector<16xi32>], vector<16xf32>,
      %max3A_78 = arith.maximumf %max3A_73, %gather3A_77 : vector<16xf32>
      %add3A_79 = arith.constant 6 : i32
      %add3A_80 = vector.broadcast %add3A_79 : i32 to vector<16xi32>
      %add3A_81 = arith.addi %mul3A_54, %add3A_80 : vector<16xi32>
      %gather3A_82 = tpu.vector_load_idx %arg12[%add3A_81] : memref<256xf32, #tpu.memory_space<vmem>>[vector<16xi32>], vector<16xf32>,
      %max3A_83 = arith.maximumf %max3A_78, %gather3A_82 : vector<16xf32>
      %add3A_84 = arith.constant 7 : i32
      %add3A_85 = vector.broadcast %add3A_84 : i32 to vector<16xi32>
      %add3A_86 = arith.addi %mul3A_54, %add3A_85 : vector<16xi32>
      %gather3A_87 = tpu.vector_load_idx %arg12[%add3A_86] : memref<256xf32, #tpu.memory_space<vmem>>[vector<16xi32>], vector<16xf32>,
      %max3A_88 = arith.maximumf %max3A_83, %gather3A_87 : vector<16xf32>
      %add3A_89 = arith.constant 8 : i32
      %add3A_90 = vector.broadcast %add3A_89 : i32 to vector<16xi32>
      %add3A_91 = arith.addi %mul3A_54, %add3A_90 : vector<16xi32>
      %gather3A_92 = tpu.vector_load_idx %arg12[%add3A_91] : memref<256xf32, #tpu.memory_space<vmem>>[vector<16xi32>], vector<16xf32>,
      %max3A_93 = arith.maximumf %max3A_88, %gather3A_92 : vector<16xf32>
      %add3A_94 = arith.constant 9 : i32
      %add3A_95 = vector.broadcast %add3A_94 : i32 to vector<16xi32>
      %add3A_96 = arith.addi %mul3A_54, %add3A_95 : vector<16xi32>
      %gather3A_97 = tpu.vector_load_idx %arg12[%add3A_96] : memref<256xf32, #tpu.memory_space<vmem>>[vector<16xi32>], vector<16xf32>,
      %max3A_98 = arith.maximumf %max3A_93, %gather3A_97 : vector<16xf32>
      %add3A_99 = arith.constant 10 : i32
      %add3A_100 = vector.broadcast %add3A_99 : i32 to vector<16xi32>
      %add3A_101 = arith.addi %mul3A_54, %add3A_100 : vector<16xi32>
      %gather3A_102 = tpu.vector_load_idx %arg12[%add3A_101] : memref<256xf32, #tpu.memory_space<vmem>>[vector<16xi32>], vector<16xf32>,
      %max3A_103 = arith.maximumf %max3A_98, %gather3A_102 : vector<16xf32>
      %add3A_104 = arith.constant 11 : i32
      %add3A_105 = vector.broadcast %add3A_104 : i32 to vector<16xi32>
      %add3A_106 = arith.addi %mul3A_54, %add3A_105 : vector<16xi32>
      %gather3A_107 = tpu.vector_load_idx %arg12[%add3A_106] : memref<256xf32, #tpu.memory_space<vmem>>[vector<16xi32>], vector<16xf32>,
      %max3A_108 = arith.maximumf %max3A_103, %gather3A_107 : vector<16xf32>
      %add3A_109 = arith.constant 12 : i32
      %add3A_110 = vector.broadcast %add3A_109 : i32 to vector<16xi32>
      %add3A_111 = arith.addi %mul3A_54, %add3A_110 : vector<16xi32>
      %gather3A_112 = tpu.vector_load_idx %arg12[%add3A_111] : memref<256xf32, #tpu.memory_space<vmem>>[vector<16xi32>], vector<16xf32>,
      %max3A_113 = arith.maximumf %max3A_108, %gather3A_112 : vector<16xf32>
      %add3A_114 = arith.constant 13 : i32
      %add3A_115 = vector.broadcast %add3A_114 : i32 to vector<16xi32>
      %add3A_116 = arith.addi %mul3A_54, %add3A_115 : vector<16xi32>
      %gather3A_117 = tpu.vector_load_idx %arg12[%add3A_116] : memref<256xf32, #tpu.memory_space<vmem>>[vector<16xi32>], vector<16xf32>,
      %max3A_118 = arith.maximumf %max3A_113, %gather3A_117 : vector<16xf32>
      %add3A_119 = arith.constant 14 : i32
      %add3A_120 = vector.broadcast %add3A_119 : i32 to vector<16xi32>
      %add3A_121 = arith.addi %mul3A_54, %add3A_120 : vector<16xi32>
      %gather3A_122 = tpu.vector_load_idx %arg12[%add3A_121] : memref<256xf32, #tpu.memory_space<vmem>>[vector<16xi32>], vector<16xf32>,
      %max3A_123 = arith.maximumf %max3A_118, %gather3A_122 : vector<16xf32>
      %add3A_124 = arith.constant 15 : i32
      %add3A_125 = vector.broadcast %add3A_124 : i32 to vector<16xi32>
      %add3A_126 = arith.addi %mul3A_54, %add3A_125 : vector<16xi32>
      %gather3A_127 = tpu.vector_load_idx %arg12[%add3A_126] : memref<256xf32, #tpu.memory_space<vmem>>[vector<16xi32>], vector<16xf32>,
      %max3A_128 = arith.maximumf %max3A_123, %gather3A_127 : vector<16xf32>
      %mul3A_129 = arith.constant 16 : i32
      %mul3A_130 = arith.muli %scan3A_48, %mul3A_129 : i32
      %swap3A_131 = arith.index_cast %mul3A_130 : i32 to index
      %swap3A_132 = tpu.vector_load %arg13[%swap3A_131] {strides = array<i32>} : memref<16xf32, #tpu.memory_space<vmem>>, vector<16xf32>,
      tpu.vector_store %arg13[%swap3A_131], %max3A_128 {strides = array<i32>} : memref<16xf32, #tpu.memory_space<vmem>>, vector<16xf32>,
      %scan3A_133 = arith.constant 0 : i32
      %scan3A_134 = arith.constant 1 : i32
      %iota3A_135 = tpu.iota {dimensions = array<i32: 0>} : vector<16xi32>
      %eq3A_136 = arith.constant 0 : i32
      %eq3A_137 = vector.broadcast %eq3A_136 : i32 to vector<16xi32>
      %eq3A_138 = arith.cmpi eq, %iota3A_135, %eq3A_137 : vector<16xi32>
      %scan3A_139 = arith.constant 0 : i32
      %scan3A_140 = arith.constant 0 : i32
      %scan3A_141 = arith.constant 33 : i32
      %scan3A_142 = arith.addi %scan3A_140, %scan3A_141 : i32
      %scan3A_143 = arith.constant 1 : i32
      %scan3A_144 = scf.for %scan3A_203 = %scan3A_140 to %scan3A_142 step %scan3A_143 iter_args(%scan3A_204 = %scan3A_139) -> (i32)  : i32 {
        %get3A_205 = arith.constant 0 : index
        %get3A_206 = tpu.vector_load %arg13[%get3A_205] {strides = array<i32>} : memref<16xf32, #tpu.memory_space<vmem>>, vector<16xf32>,
        %reduce_max3A = arith.constant true
        %reduce_max3A_207 = vector.broadcast %reduce_max3A : i1 to vector<16xi1>
        %reduce_max3A_208 = tpu.scan <max>, %get3A_206 masked %reduce_max3A_207 : vector<16xf32>, vector<16xi1> -> vector<16xf32>
        %reduce_max3A_209 = vector.extract %reduce_max3A_208[15] : f32 from vector<16xf32>
        %eq3A_210 = vector.broadcast %reduce_max3A_209 : f32 to vector<16xf32>
        %eq3A_211 = arith.cmpf oeq, %get3A_206, %eq3A_210 : vector<16xf32>
        %all_reduce_ffs3A = tpu.all_reduce %eq3A_211 {dim = 0 : i64, kind = #tpu.reduction_kind<find_first_set>} : vector<16xi1> -> vector<16xi32>
        %slice3A_212 = vector.extract_strided_slice %all_reduce_ffs3A {offsets = [0], sizes = [1], strides = [1]} : vector<16xi32> to vector<1xi32>
        %squeeze3A_213 = vector.extract %slice3A_212[0] : i32 from vector<1xi32>
        %mul3A_214 = arith.constant 16 : i32
        %mul3A_215 = arith.muli %squeeze3A_213, %mul3A_214 : i32
        %get3A_216 = arith.index_cast %mul3A_215 : i32 to index
        %get3A_217 = tpu.vector_load %arg12[%get3A_216] {strides = array<i32>} : memref<256xf32, #tpu.memory_space<vmem>>, vector<16xf32>,
        %eq3A_218 = vector.broadcast %reduce_max3A_209 : f32 to vector<16xf32>
        %eq3A_219 = arith.cmpf oeq, %get3A_217, %eq3A_218 : vector<16xf32>
        %all_reduce_ffs3A_220 = tpu.all_reduce %eq3A_219 {dim = 0 : i64, kind = #tpu.reduction_kind<find_first_set>} : vector<16xi1> -> vector<16xi32>
        %slice3A_221 = vector.extract_strided_slice %all_reduce_ffs3A_220 {offsets = [0], sizes = [1], strides = [1]} : vector<16xi32> to vector<1xi32>
        %squeeze3A_222 = vector.extract %slice3A_221[0] : i32 from vector<1xi32>
        %mul3A_223 = arith.constant 16 : i32
        %mul3A_224 = arith.muli %squeeze3A_213, %mul3A_223 : i32
        %add3A_225 = arith.addi %mul3A_224, %squeeze3A_222 : i32
        %mul3A_226 = arith.constant 16 : i32
        %mul3A_227 = arith.muli %add3A_225, %mul3A_226 : i32
        %get3A_228 = arith.index_cast %mul3A_227 : i32 to index
        %get3A_229 = tpu.vector_load %arg10[%get3A_228] {strides = array<i32>} : memref<768xf32, #tpu.memory_space<vmem>>, vector<16xf32>,
        %eq3A_230 = vector.broadcast %reduce_max3A_209 : f32 to vector<16xf32>
        %eq3A_231 = arith.cmpf oeq, %get3A_229, %eq3A_230 : vector<16xf32>
        %all_reduce_ffs3A_232 = tpu.all_reduce %eq3A_231 {dim = 0 : i64, kind = #tpu.reduction_kind<find_first_set>} : vector<16xi1> -> vector<16xi32>
        %slice3A_233 = vector.extract_strided_slice %all_reduce_ffs3A_232 {offsets = [0], sizes = [1], strides = [1]} : vector<16xi32> to vector<1xi32>
        %squeeze3A_234 = vector.extract %slice3A_233[0] : i32 from vector<1xi32>
        %mul3A_235 = arith.constant 16 : i32
        %mul3A_236 = arith.muli %add3A_225, %mul3A_235 : i32
        %add3A_237 = arith.addi %mul3A_236, %squeeze3A_234 : i32
        %broadcast_in_dim3A_238 = vector.broadcast %scan3A_203 : i32 to vector<16xi32>
        %broadcast_in_dim3A_239 = vector.broadcast %reduce_max3A_209 : f32 to vector<16xf32>
        tpu.vector_store_idx %arg8[%broadcast_in_dim3A_238], %broadcast_in_dim3A_239 masked %eq3A_138 : memref<48xf32, #tpu.memory_space<vmem>>[vector<16xi32>], vector<16xf32>, vector<16xi1>
        %broadcast_in_dim3A_240 = vector.broadcast %scan3A_203 : i32 to vector<16xi32>
        %broadcast_in_dim3A_241 = vector.broadcast %add3A_237 : i32 to vector<16xi32>
        %gather3A_242 = tpu.vector_load_idx %arg11[%broadcast_in_dim3A_241] : memref<768xi32, #tpu.memory_space<vmem>>[vector<16xi32>], vector<16xi32>,
        tpu.vector_store_idx %arg9[%broadcast_in_dim3A_240], %gather3A_242 masked %eq3A_138 : memref<48xi32, #tpu.memory_space<vmem>>[vector<16xi32>], vector<16xi32>, vector<16xi1>
        %broadcast_in_dim3A_243 = vector.broadcast %add3A_237 : i32 to vector<16xi32>
        %broadcast_in_dim3A_244 = arith.constant 0xFF800000 : f32
        %broadcast_in_dim3A_245 = vector.broadcast %broadcast_in_dim3A_244 : f32 to vector<16xf32>
        tpu.vector_store_idx %arg10[%broadcast_in_dim3A_243], %broadcast_in_dim3A_245 masked %eq3A_138 : memref<768xf32, #tpu.memory_space<vmem>>[vector<16xi32>], vector<16xf32>, vector<16xi1>
        %eq3A_246 = vector.broadcast %squeeze3A_234 : i32 to vector<16xi32>
        %eq3A_247 = arith.cmpi eq, %iota3A_135, %eq3A_246 : vector<16xi32>
        %jit3A = arith.constant 0xFF800000 : f32
        %broadcast_in_dim3A_248 = vector.broadcast %jit3A : f32 to vector<16xf32>
        %select_n3A = arith.select %eq3A_247, %broadcast_in_dim3A_248, %get3A_229 : vector<16xi1>, vector<16xf32>
        %reduce_max3A_249 = arith.constant true
        %reduce_max3A_250 = vector.broadcast %reduce_max3A_249 : i1 to vector<16xi1>
        %reduce_max3A_251 = tpu.scan <max>, %select_n3A masked %reduce_max3A_250 : vector<16xf32>, vector<16xi1> -> vector<16xf32>
        %reduce_max3A_252 = vector.extract %reduce_max3A_251[15] : f32 from vector<16xf32>
        %broadcast_in_dim3A_253 = vector.broadcast %add3A_225 : i32 to vector<16xi32>
        %broadcast_in_dim3A_254 = vector.broadcast %reduce_max3A_252 : f32 to vector<16xf32>
        tpu.vector_store_idx %arg12[%broadcast_in_dim3A_253], %broadcast_in_dim3A_254 masked %eq3A_138 : memref<256xf32, #tpu.memory_space<vmem>>[vector<16xi32>], vector<16xf32>, vector<16xi1>
        %eq3A_255 = vector.broadcast %squeeze3A_222 : i32 to vector<16xi32>
        %eq3A_256 = arith.cmpi eq, %iota3A_135, %eq3A_255 : vector<16xi32>
        %broadcast_in_dim3A_257 = vector.broadcast %reduce_max3A_252 : f32 to vector<16xf32>
        %select_n3A_258 = arith.select %eq3A_256, %broadcast_in_dim3A_257, %get3A_217 : vector<16xi1>, vector<16xf32>
        %reduce_max3A_259 = arith.constant true
        %reduce_max3A_260 = vector.broadcast %reduce_max3A_259 : i1 to vector<16xi1>
        %reduce_max3A_261 = tpu.scan <max>, %select_n3A_258 masked %reduce_max3A_260 : vector<16xf32>, vector<16xi1> -> vector<16xf32>
        %reduce_max3A_262 = vector.extract %reduce_max3A_261[15] : f32 from vector<16xf32>
        %broadcast_in_dim3A_263 = vector.broadcast %squeeze3A_213 : i32 to vector<16xi32>
        %broadcast_in_dim3A_264 = vector.broadcast %reduce_max3A_262 : f32 to vector<16xf32>
        tpu.vector_store_idx %arg13[%broadcast_in_dim3A_263], %broadcast_in_dim3A_264 masked %eq3A_138 : memref<16xf32, #tpu.memory_space<vmem>>[vector<16xi32>], vector<16xf32>, vector<16xi1>
        %scan3A_265 = arith.constant 0 : i32
        scf.yield %scan3A_265 : i32
      }
      %scan3A_145 = arith.constant 33 : i32
      %get3A = arith.constant 0 : index
      %get3A_146 = tpu.vector_load %arg8[%get3A] {strides = array<i32>} : memref<48xf32, #tpu.memory_space<vmem>>, vector<16xf32>,
      %slice3A = vector.extract_strided_slice %get3A_146 {offsets = [0], sizes = [1], strides = [1]} : vector<16xf32> to vector<1xf32>
      %squeeze3A = vector.extract %slice3A[0] : f32 from vector<1xf32>
      %get3A_147 = arith.constant 32 : index
      %get3A_148 = tpu.vector_load %arg8[%get3A_147] {strides = array<i32>} : memref<48xf32, #tpu.memory_space<vmem>>, vector<16xf32>,
      %slice3A_149 = vector.extract_strided_slice %get3A_148 {offsets = [0], sizes = [1], strides = [1]} : vector<16xf32> to vector<1xf32>
      %squeeze3A_150 = vector.extract %slice3A_149[0] : f32 from vector<1xf32>
      %broadcast_in_dim3A_151 = vector.broadcast %squeeze3A_150 : f32 to vector<16xf32>
      %broadcast_in_dim3A_152 = arith.constant 1.000000e+00 : f32
      %broadcast_in_dim3A_153 = vector.broadcast %broadcast_in_dim3A_152 : f32 to vector<16xf32>
      %sub3A = arith.subf %squeeze3A, %squeeze3A_150 : f32
      %broadcast_in_dim3A_154 = vector.broadcast %sub3A : f32 to vector<16xf32>
      %div3A = arith.divf %broadcast_in_dim3A_153, %broadcast_in_dim3A_154 : vector<16xf32>
      %get3A_155 = arith.constant 0 : index
      %get3A_156 = tpu.vector_load %arg9[%get3A_155] {strides = array<i32>} : memref<48xi32, #tpu.memory_space<vmem>>, vector<16xi32>,
      %get3A_157 = arith.constant 0 : index
      %get3A_158 = tpu.vector_load %arg8[%get3A_157] {strides = array<i32>} : memref<48xf32, #tpu.memory_space<vmem>>, vector<16xf32>,
      %sub3A_159 = arith.subf %get3A_158, %broadcast_in_dim3A_151 : vector<16xf32>
      %mul3A_160 = arith.mulf %sub3A_159, %div3A : vector<16xf32>
      %sub3A_161 = vector.broadcast %mul3A_0 : i32 to vector<16xi32>
      %sub3A_162 = arith.subi %get3A_156, %sub3A_161 : vector<16xi32>
      %ge3A = arith.constant 0 : i32
      %ge3A_163 = vector.broadcast %ge3A : i32 to vector<16xi32>
      %ge3A_164 = arith.cmpi sge, %sub3A_162, %ge3A_163 : vector<16xi32>
      %lt3A = arith.constant 6272 : i32
      %lt3A_165 = vector.broadcast %lt3A : i32 to vector<16xi32>
      %lt3A_166 = arith.cmpi slt, %sub3A_162, %lt3A_165 : vector<16xi32>
      %and3A = arith.andi %ge3A_164, %lt3A_166 : vector<16xi1>
      %max3A_167 = arith.constant 0 : i32
      %max3A_168 = vector.broadcast %max3A_167 : i32 to vector<16xi32>
      %max3A_169 = arith.maxsi %sub3A_162, %max3A_168 : vector<16xi32>
      %min3A = arith.constant 6271 : i32
      %min3A_170 = vector.broadcast %min3A : i32 to vector<16xi32>
      %min3A_171 = arith.minsi %max3A_169, %min3A_170 : vector<16xi32>
      tpu.vector_store_idx %arg5[%min3A_171], %mul3A_160 masked %and3A : memref<6400xf32, #tpu.memory_space<vmem>>[vector<16xi32>], vector<16xf32>, vector<16xi1>
      %get3A_172 = arith.constant 16 : index
      %get3A_173 = tpu.vector_load %arg9[%get3A_172] {strides = array<i32>} : memref<48xi32, #tpu.memory_space<vmem>>, vector<16xi32>,
      %get3A_174 = arith.constant 16 : index
      %get3A_175 = tpu.vector_load %arg8[%get3A_174] {strides = array<i32>} : memref<48xf32, #tpu.memory_space<vmem>>, vector<16xf32>,
      %sub3A_176 = arith.subf %get3A_175, %broadcast_in_dim3A_151 : vector<16xf32>
      %mul3A_177 = arith.mulf %sub3A_176, %div3A : vector<16xf32>
      %sub3A_178 = vector.broadcast %mul3A_0 : i32 to vector<16xi32>
      %sub3A_179 = arith.subi %get3A_173, %sub3A_178 : vector<16xi32>
      %ge3A_180 = arith.constant 0 : i32
      %ge3A_181 = vector.broadcast %ge3A_180 : i32 to vector<16xi32>
      %ge3A_182 = arith.cmpi sge, %sub3A_179, %ge3A_181 : vector<16xi32>
      %lt3A_183 = arith.constant 6272 : i32
      %lt3A_184 = vector.broadcast %lt3A_183 : i32 to vector<16xi32>
      %lt3A_185 = arith.cmpi slt, %sub3A_179, %lt3A_184 : vector<16xi32>
      %and3A_186 = arith.andi %ge3A_182, %lt3A_185 : vector<16xi1>
      %max3A_187 = arith.constant 0 : i32
      %max3A_188 = vector.broadcast %max3A_187 : i32 to vector<16xi32>
      %max3A_189 = arith.maxsi %sub3A_179, %max3A_188 : vector<16xi32>
      %min3A_190 = arith.constant 6271 : i32
      %min3A_191 = vector.broadcast %min3A_190 : i32 to vector<16xi32>
      %min3A_192 = arith.minsi %max3A_189, %min3A_191 : vector<16xi32>
      tpu.vector_store_idx %arg5[%min3A_192], %mul3A_177 masked %and3A_186 : memref<6400xf32, #tpu.memory_space<vmem>>[vector<16xi32>], vector<16xf32>, vector<16xi1>
      %lt3A_193 = arith.constant 15 : i32
      %lt3A_194 = arith.cmpi slt, %arg1, %lt3A_193 : i32
      %convert_element_type3A_195 = arith.extui %lt3A_194 : i1 to i32
      %cond3A_196 = arith.constant 0 : i32
      %cond3A_197 = arith.cmpi ne, %convert_element_type3A_195, %cond3A_196 : i32
      scf.if %cond3A_197 {
        "tpu.region"() ({
          %run_scoped3A = tpu.sem_alloc : memref<!tpu.dma_semaphore, #tpu.memory_space<semaphore_mem>>
          %dma_start3A = arith.constant 0 : i32
          %dma_start3A_203 = tpu.memref_slice %arg5[%dma_start3A] : memref<6400xf32, #tpu.memory_space<vmem>> -> memref<6272xf32, #tpu.memory_space<vmem>>
          %dma_start3A_204 = tpu.memref_slice %arg3[%mul3A_0] : memref<100000xf32, #tpu.memory_space<hbm>> -> memref<6272xf32, #tpu.memory_space<hbm>>
          %dma_start3A_205 = tpu.memref_slice %arg3[%mul3A_0] : memref<100000xf32, #tpu.memory_space<hbm>> -> memref<6272xf32, #tpu.memory_space<hbm>>
          %dma_start3A_206 = arith.constant 0 : i32
          %dma_start3A_207 = tpu.memref_slice %arg5[%dma_start3A_206] : memref<6400xf32, #tpu.memory_space<vmem>> -> memref<6272xf32, #tpu.memory_space<vmem>>
          tpu.enqueue_dma source(%dma_start3A_207 : memref<6272xf32, #tpu.memory_space<vmem>>) target(%dma_start3A_205 : memref<6272xf32, #tpu.memory_space<hbm>>) target_semaphore(%run_scoped3A : memref<!tpu.dma_semaphore, #tpu.memory_space<semaphore_mem>>)
          %dma_wait3A = arith.constant 0 : i32
          %dma_wait3A_208 = tpu.memref_slice %arg5[%dma_wait3A] : memref<6400xf32, #tpu.memory_space<vmem>> -> memref<6272xf32, #tpu.memory_space<vmem>>
          %dma_wait3A_209 = tpu.memref_slice %arg3[%mul3A_0] : memref<100000xf32, #tpu.memory_space<hbm>> -> memref<6272xf32, #tpu.memory_space<hbm>>
          %dma_wait3A_210 = tpu.memref_slice %arg3[%mul3A_0] : memref<100000xf32, #tpu.memory_space<hbm>> -> memref<6272xf32, #tpu.memory_space<hbm>>
          %dma_wait3A_211 = arith.constant 0 : i32
          %dma_wait3A_212 = tpu.memref_slice %arg5[%dma_wait3A_211] : memref<6400xf32, #tpu.memory_space<vmem>> -> memref<6272xf32, #tpu.memory_space<vmem>>
          tpu.wait_dma2 semaphore(%run_scoped3A : memref<!tpu.dma_semaphore, #tpu.memory_space<semaphore_mem>>) src(%dma_wait3A_212 : memref<6272xf32, #tpu.memory_space<vmem>>) dst(%dma_wait3A_210 : memref<6272xf32, #tpu.memory_space<hbm>>)
          tpu.yield
        }) : () -> ()
      } else {
      }
      %eq3A_198 = arith.constant 15 : i32
      %eq3A_199 = arith.cmpi eq, %arg1, %eq3A_198 : i32
      %convert_element_type3A_200 = arith.extui %eq3A_199 : i1 to i32
      %cond3A_201 = arith.constant 0 : i32
      %cond3A_202 = arith.cmpi ne, %convert_element_type3A_200, %cond3A_201 : i32
      scf.if %cond3A_202 {
        "tpu.region"() ({
          %run_scoped3A = tpu.sem_alloc : memref<!tpu.dma_semaphore, #tpu.memory_space<semaphore_mem>>
          %dma_start3A = arith.constant 0 : i32
          %dma_start3A_203 = tpu.memref_slice %arg5[%dma_start3A] : memref<6400xf32, #tpu.memory_space<vmem>> -> memref<5920xf32, #tpu.memory_space<vmem>>
          %dma_start3A_204 = tpu.memref_slice %arg3[%mul3A_0] : memref<100000xf32, #tpu.memory_space<hbm>> -> memref<5920xf32, #tpu.memory_space<hbm>>
          %dma_start3A_205 = tpu.memref_slice %arg3[%mul3A_0] : memref<100000xf32, #tpu.memory_space<hbm>> -> memref<5920xf32, #tpu.memory_space<hbm>>
          %dma_start3A_206 = arith.constant 0 : i32
          %dma_start3A_207 = tpu.memref_slice %arg5[%dma_start3A_206] : memref<6400xf32, #tpu.memory_space<vmem>> -> memref<5920xf32, #tpu.memory_space<vmem>>
          tpu.enqueue_dma source(%dma_start3A_207 : memref<5920xf32, #tpu.memory_space<vmem>>) target(%dma_start3A_205 : memref<5920xf32, #tpu.memory_space<hbm>>) target_semaphore(%run_scoped3A : memref<!tpu.dma_semaphore, #tpu.memory_space<semaphore_mem>>)
          %dma_wait3A = arith.constant 0 : i32
          %dma_wait3A_208 = tpu.memref_slice %arg5[%dma_wait3A] : memref<6400xf32, #tpu.memory_space<vmem>> -> memref<5920xf32, #tpu.memory_space<vmem>>
          %dma_wait3A_209 = tpu.memref_slice %arg3[%mul3A_0] : memref<100000xf32, #tpu.memory_space<hbm>> -> memref<5920xf32, #tpu.memory_space<hbm>>
          %dma_wait3A_210 = tpu.memref_slice %arg3[%mul3A_0] : memref<100000xf32, #tpu.memory_space<hbm>> -> memref<5920xf32, #tpu.memory_space<hbm>>
          %dma_wait3A_211 = arith.constant 0 : i32
          %dma_wait3A_212 = tpu.memref_slice %arg5[%dma_wait3A_211] : memref<6400xf32, #tpu.memory_space<vmem>> -> memref<5920xf32, #tpu.memory_space<vmem>>
          tpu.wait_dma2 semaphore(%run_scoped3A : memref<!tpu.dma_semaphore, #tpu.memory_space<semaphore_mem>>) src(%dma_wait3A_212 : memref<5920xf32, #tpu.memory_space<vmem>>) dst(%dma_wait3A_210 : memref<5920xf32, #tpu.memory_space<hbm>>)
          tpu.yield
        }) : () -> ()
      } else {
      }
    } else {
    }
    return
  }
}

module attributes {stable_mosaic.version = 14 : i64} {
  func.func @_matvec_kernel(%arg0: i32, %arg1: memref<4096xf32, #tpu.memory_space<vmem>>, %arg2: memref<1024x4096xf32, #tpu.memory_space<vmem>>, %arg3: memref<8x128xf32, #tpu.memory_space<vmem>>) attributes {dimension_semantics = [#tpu.dimension_semantics<arbitrary>], iteration_bounds = array<i64: 98>, scalar_prefetch = 0 : i64, scratch_operands = 0 : i64, tpu.core_type = #tpu.core_type<tc>, window_params = [{pipeline_mode = #tpu.pipeline_mode<synchronous>, transform_indices = @transform_0, window_bounds = array<i64: 4096>}, {transform_indices = @transform_1, window_bounds = array<i64: 1024, 4096>}, {transform_indices = @transform_2, window_bounds = array<i64: 8, 128>}]} {
    %get3A = arith.constant 0 : index
    %get3A_0 = arith.constant 0 : index
    %get3A_1 = vector.load %arg2[%get3A, %get3A_0] : memref<1024x4096xf32, #tpu.memory_space<vmem>>, vector<1024x4096xf32>
    %convert_element_type3A = arith.truncf %get3A_1 : vector<1024x4096xf32> to vector<1024x4096xbf16>
    %get3A_2 = arith.constant 0 : index
    %get3A_3 = vector.load %arg1[%get3A_2] : memref<4096xf32, #tpu.memory_space<vmem>>, vector<4096xf32>
    %convert_element_type3A_4 = arith.truncf %get3A_3 : vector<4096xf32> to vector<4096xbf16>
    %dot_general3A = arith.constant dense<0.000000e+00> : vector<1024xf32>
    %dot_general3A_5 = tpu.matmul %convert_element_type3A, %convert_element_type3A_4, %dot_general3A {dimension_numbers = #tpu.dot_dimension_numbers<[1], [0], [0], [], [0, 0], [], []>, transpose_lhs_hint = false} : vector<1024x4096xbf16>, vector<4096xbf16>, vector<1024xf32> -> vector<1024xf32>
    %reshape3A = vector.shape_cast %dot_general3A_5 : vector<1024xf32> to vector<8x128xf32>
    %iota3A = tpu.iota {dimensions = array<i32: 0>} : vector<8x128xi32>
    %iota3A_6 = tpu.iota {dimensions = array<i32: 1>} : vector<8x128xi32>
    %mul3A = arith.constant 1024 : i32
    %mul3A_7 = arith.muli %arg0, %mul3A : i32
    %mul3A_8 = arith.constant 128 : i32
    %mul3A_9 = vector.broadcast %mul3A_8 : i32 to vector<8x128xi32>
    %mul3A_10 = arith.muli %iota3A, %mul3A_9 : vector<8x128xi32>
    %add3A = vector.broadcast %mul3A_7 : i32 to vector<8x128xi32>
    %add3A_11 = arith.addi %add3A, %mul3A_10 : vector<8x128xi32>
    %add3A_12 = arith.addi %add3A_11, %iota3A_6 : vector<8x128xi32>
    %lt3A = arith.constant 100000 : i32
    %lt3A_13 = vector.broadcast %lt3A : i32 to vector<8x128xi32>
    %lt3A_14 = arith.cmpi slt, %add3A_12, %lt3A_13 : vector<8x128xi32>
    %jit3A = arith.constant 0xFF800000 : f32
    %broadcast_in_dim3A = vector.broadcast %jit3A : f32 to vector<8x128xf32>
    %select_n3A = arith.select %lt3A_14, %reshape3A, %broadcast_in_dim3A : vector<8x128xi1>, vector<8x128xf32>
    %swap3A = arith.constant 0 : index
    %swap3A_15 = arith.constant 0 : index
    %swap3A_16 = vector.load %arg3[%swap3A, %swap3A_15] : memref<8x128xf32, #tpu.memory_space<vmem>>, vector<8x128xf32>
    tpu.vector_store %arg3[%swap3A, %swap3A_15], %select_n3A {strides = array<i32>} : memref<8x128xf32, #tpu.memory_space<vmem>>, vector<8x128xf32>,
    return
  }
  func.func @transform_0(%arg0: i32) -> i32 {
    %c0_i32 = arith.constant 0 : i32
    %c0_i32_0 = arith.constant 0 : i32
    return %c0_i32 : i32
  }
  func.func @transform_1(%arg0: i32) -> (i32, i32) {
    %c0_i32 = arith.constant 0 : i32
    %c0_i32_0 = arith.constant 0 : i32
    return %arg0, %c0_i32 : i32, i32
  }
  func.func @transform_2(%arg0: i32) -> (i32, i32) {
    %c0_i32 = arith.constant 0 : i32
    %c0_i32_0 = arith.constant 0 : i32
    return %arg0, %c0_i32 : i32, i32
  }
}

</mosaic_0001>

<sc_bundles>
// kernel: kernel.4.cloned.1.call-start
scs
__scs_entry_jumppad:
0x0: {  	(pc) =	sbr.rel $0x88, $3  }
0x1: {  	(tag) =	ssettag $0x0;
	lr =	simm.s32 $0x1  }
0x2: {  	[smem:$0x3F9F] =	sst lr;
	_ =	strace $0xD0000000  }
0x3: {  	_ = 	snop  }
0x4: {  	_ = 	snop  }
0x5: {  	_ = 	snop  }
0x6: {  	_ = 	snop  }
0x7: {  	_ = 	snop  }
__scs_overlays_trampoline_lowered:
0x8: {  	[smem:$0x3FAE] =	sst s0  }
0x9: {  	[smem:$0x3FAF] =	sst s1  }
0xa: {  	[smem:$0x3FB0] =	sst s2  }
0xb: {  	[smem:$0x3FB1] =	sst s3  }
0xc: {  	[smem:$0x3FB2] =	sst s4  }
0xd: {  	[smem:$0x3FB3] =	sst s5  }
0xe: {  	[smem:$0x3FB4] =	sst s6  }
0xf: {  	[smem:$0x3FB5] =	sst s7  }
0x10: {  	[smem:$0x3FB6] =	sst s8  }
0x11: {  	[smem:$0x3FB7] =	sst s9;
	s0 =	simm.s32 @!p0 $0x0  }
0x12: {  	s1 =	sld [smem:$0x3F9D];
	s0 =	simm.s32 @p0 $0x1  }
0x13: {  	[smem:$0x3FB8] =	sst s0;
	s0 =	simm.s32 @!p1 $0x0  }
0x14: {  	s2 =	sld [smem:$0x3F9C];
	s0 =	simm.s32 @p1 $0x1  }
0x15: {  	[smem:$0x3FB9] =	sst s0;
	s0 =	simm.s32 @!p2 $0x0  }
0x16: {  	s3 =	sld [smem:$0x3FDB];
	s0 =	simm.s32 @p2 $0x1  }
0x17: {  	s4 =	simm.s32 $0x1BF5;
	[smem:$0x3FBB] =	sst s0  }
0x18: {  	s0 =	sld [smem:$0x3F9E];
	_ =	swait.ge [sflag:s4], $0x0  }
0x19: {  	s7 =	sld [smem:$0x3F9F]  }
0x1a: {  	s8 =	sadd.s32 $0xFFFFE003, lr  }
0x1b: {  	s9 =	sadd.s32 $0xFFFFFEF7, lr;
	s5 =	simm.s32 $0xFFFFFFFF;
	p2 =	slt.u32 s8, $0xFFFFF086  }
0x1c: {  	p1 =	slt.u32 s9, $0xF7A;
	s5 =	simm.s32 @!p2 $0x0  }
0x1d: {  	s5 =	simm.s32 @p1 $0x1;
	p0 =	seq.s32 s7, s2  }
0x1e: {  	s7 =	smul.u32 @!p0 $0xF7A, s2;
	p2 =	seq.s32 @!p0 s5, $0x0  }
0x1f: {  	s9 =	smul.u32 $0xF7A, s1;
	s8 =	simm.s32 @!p0 $0x1BF5;
	p2 =	por !p2, p0  }
0x20: {  	[sflag:s8] =	ssyncset.s32 @!p0 $0xFFFFF086;
	s6 =	sadd.s32 @!p0 s3, s7;
	s7 =	simm.s32 @!p0 $0x108  }
0x21: {  	s3 =	sadd.s32 s3, s9;
	s6 =	sadd.s32 @!p0 $0x88, s6;
	s7 =	simm.s32 @p2 $0x1082  }
0x22: {  	[simem:s7], [sflag:s8] =	dma.local @!p0 [hbm:s6], $0xF7A  }
0x23: {  	s9 =	sor.u32 $0xD0000000, s2;
	s6 =	simm.s32 $0x108;
	_ =	swait.ge @!p0 [sflag:s8], $0x0  }
0x24: {  	s3 =	sadd.s32 $0x88, s3;
	s6 =	simm.s32 @!p1 $0x1082;
	[sflag:s4] =	ssyncset.s32 $0xFFFFF086  }
0x25: {  	[simem:s6], [sflag:s4] =	dma.local [hbm:s3], $0xF7A  }
0x26: {  	[smem:$0x3F9F] =	sst s1;
	(tag) =	ssettag s2;
	_ =	strace s9  }
0x27: {  	s1 =	sld [smem:$0x3FAF]  }
0x28: {  	s2 =	sld [smem:$0x3FB0]  }
0x29: {  	s4 =	sld [smem:$0x3FB2]  }
0x2a: {  	p0 =	seq.s32 s5, $0x0;
	s5 =	sld [smem:$0x3FB3]  }
0x2b: {  	s6 =	sld [smem:$0x3FB4]  }
0x2c: {  	s7 =	sld [smem:$0x3FB5]  }
0x2d: {  	s3 =	simm.s32 $0x108;
	s8 =	sld [smem:$0x3FB6]  }
0x2e: {  	s3 =	simm.s32 @!p0 $0x1082;
	s9 =	sld [smem:$0x3FB7]  }
0x2f: {  	lr =	sadd.s32 s0, s3;
	s0 =	sld [smem:$0x3FAE]  }
0x30: {  	s3 =	sld [smem:$0x3FB1]  }
0x31: {  	[smem:$0x3FBA] =	sst s10  }
0x32: {  	s10 =	sld [smem:$0x3FB8];
	_ =	sdelay $0x3  }
0x33: {  	p0 =	seq.s32 s10, $0x1;
	s10 =	sld [smem:$0x3FBA];
	_ =	sdelay $0x3  }
0x34: {  	[smem:$0x3FBA] =	sst s10  }
0x35: {  	s10 =	sld [smem:$0x3FB9];
	_ =	sdelay $0x3  }
0x36: {  	p1 =	seq.s32 s10, $0x1;
	s10 =	sld [smem:$0x3FBA];
	_ =	sdelay $0x3  }
0x37: {  	[smem:$0x3FBA] =	sst s10  }
0x38: {  	s10 =	sld [smem:$0x3FBB]  }
0x39: {  	_ = 	snop;
	(pc) =	sbr.ind lr, $3  }
0x3a: {  	_ = 	snop  }
0x3b: {  	_ = 	snop  }
0x3c: {  	p2 =	seq.s32 s10, $0x1;
	s10 =	sld [smem:$0x3FBA]  }
0x3d: {  	_ =	shalt  }
0x3e: {  	_ =	shalt  }
0x3f: {  	_ =	shalt  }
0x40: {  	_ =	shalt  }
0x41: {  	_ =	shalt  }
0x42: {  	_ =	shalt  }
0x43: {  	_ =	shalt  }
0x44: {  	_ =	shalt  }
0x45: {  	_ =	shalt  }
0x46: {  	_ =	shalt  }
0x47: {  	_ =	shalt  }
0x48: {  	_ =	shalt  }
0x49: {  	_ =	shalt  }
0x4a: {  	_ =	shalt  }
0x4b: {  	_ =	shalt  }
0x4c: {  	_ =	shalt  }
0x4d: {  	_ =	shalt  }
0x4e: {  	_ =	shalt  }
0x4f: {  	_ =	shalt  }
0x50: {  	_ =	shalt  }
0x51: {  	_ =	shalt  }
0x52: {  	_ =	shalt  }
0x53: {  	_ =	shalt  }
0x54: {  	_ =	shalt  }
0x55: {  	_ =	shalt  }
0x56: {  	_ =	shalt  }
0x57: {  	_ =	shalt  }
0x58: {  	_ =	shalt  }
0x59: {  	_ =	shalt  }
0x5a: {  	_ =	shalt  }
0x5b: {  	_ =	shalt  }
0x5c: {  	_ =	shalt  }
0x5d: {  	_ =	shalt  }
0x5e: {  	_ =	shalt  }
0x5f: {  	_ =	shalt  }
0x60: {  	_ =	shalt  }
0x61: {  	_ =	shalt  }
0x62: {  	_ =	shalt  }
0x63: {  	_ =	shalt  }
0x64: {  	_ =	shalt  }
0x65: {  	_ =	shalt  }
0x66: {  	_ =	shalt  }
0x67: {  	_ =	shalt  }
0x68: {  	_ =	shalt  }
0x69: {  	_ =	shalt  }
0x6a: {  	_ =	shalt  }
0x6b: {  	_ =	shalt  }
0x6c: {  	_ =	shalt  }
0x6d: {  	_ =	shalt  }
0x6e: {  	_ =	shalt  }
0x6f: {  	_ =	shalt  }
0x70: {  	_ =	shalt  }
0x71: {  	_ =	shalt  }
0x72: {  	_ =	shalt  }
0x73: {  	_ =	shalt  }
0x74: {  	_ =	shalt  }
0x75: {  	_ =	shalt  }
0x76: {  	_ =	shalt  }
0x77: {  	_ =	shalt  }
0x78: {  	_ =	shalt  }
0x79: {  	_ =	shalt  }
0x7a: {  	_ =	shalt  }
0x7b: {  	_ =	shalt  }
0x7c: {  	_ =	shalt  }
0x7d: {  	_ =	shalt  }
0x7e: {  	_ =	shalt  }
0x7f: {  	_ =	shalt  }
0x80: {  	_ =	shalt  }
0x81: {  	_ =	shalt  }
0x82: {  	_ =	shalt  }
0x83: {  	_ =	shalt  }
0x84: {  	_ =	shalt  }
0x85: {  	_ =	shalt  }
0x86: {  	_ =	shalt  }
0x87: {  	_ =	shalt  }
.Lfunc_end0:
.L_simem_size_0:
called_computation_lowered:
.L_overlay_start_0:
0x88: {  	s2 =	sld [smem:$0x3FD9]  }
0x89: {  	s3 =	sld [smem:$0x3FFE];
	_ =	sdelay $0x1  }
0x8a: {  	s1 =	srdreg.scid  }
0x8b: {  	s0 =	sand.u32 $0x1, s1  }
0x8c: {  	s17 =	sshll.u32 s0, $0xA;
	s2 =	sadd.s32 s3, s2  }
0x8d: {  	s2 =	sadd.s32 s2, s17  }
0x8e: {  	[smem:$0x3FC6] =	sst s2  }
0x8f: {  	_ = 	snop  }
0x90: {  	s2 =	sld [smem:$0x3FD0];
	(tm) =	ssettm $0x1  }
0x91: {  	s18 =	sld [smem:$0x3FFB];
	_ =	sdelay $0x3  }
0x92: {  	_ =	strace s18  }
0x93: {  	s3 =	sld [smem:$0x3FFC];
	_ =	sdelay $0x3  }
0x94: {  	_ =	strace s3  }
0x95: {  	s3 =	sld [smem:$0x3FFD];
	_ =	sdelay $0x3  }
0x96: {  	_ =	strace s3  }
0x97: {  	_ =	strace $0x8FFFFFFF  }
0x98: {  	s19 =	sld [smem:$0x3FDB];
	_ =	sdelay $0x1  }
0x99: {  	s4 =	simm.s32 $_scs_section_size  }
0x9a: {  	s5 =	simm.s32 $_size__tile_overlayer_lowered;
	s6 =	simm.s32 $_tile_overlayer_lowered  }
0x9b: {  	s22 =	simm.s32 $0x1BFF;
	s21 =	sshll.u32 s6, $0x1;
	s3 =	sadd.s32 s4, s19  }
0x9c: {  	s7 =	simm.s32 $0x0;
	s20 =	sshll.u32 s5, $0x1;
	s5 =	sadd.s32 s21, s3  }
0x9d: {  	[timem:s7], [sflag:s22] =	dma.local [hbm:s5], s20  }
0x9e: {  	_ =	swait.ge [sflag:s22], s20  }
0x9f: {  	s4 =	ssub.s32 $0x0, s20;
	[sflag:s22] =	ssyncset.done $0x0  }
0xa0: {  	[sflag:s22] =	ssyncadd.s32 s4;
	_ =	sdelay $0x1  }
0xa1: {  	s23 =	simm.s32 $0x1B8B  }
0xa2: {  	_ =	swait.ge [sflag:s23], $0x1  }
0xa3: {  	[sflag:s23] =	ssyncset.done $0x0  }
0xa4: {  	s25 =	simm.s32 $0x1B8E;
	s24 =	sld [smem:$0x3FFE];
	[sflag:s23] =	ssyncadd.s32 $0xFFFFFFFF  }
0xa5: {  	s26 =	simm.s32 $execute0_lowered;
	[smem:$0x3FD2] =	sst s25  }
0xa6: {  	s5 =	sshll.u32 s26, $0x1;
	_ =	strace $0x80000046;
	[dreg:$0x1] =	wrdreg $0xFFFFFFFF  }
0xa7: {  	s28 =	simm.s32 $_size_execute0_lowered;
	s3 =	sadd.s32 s3, s5;
	[dreg:$0x0] =	wrdreg $0x0  }
0xa8: {  	s5 =	sshll.u32 s28, $0x1;
	[dreg:$0x2] =	wrdreg s3  }
0xa9: {  	[dreg:$0x3] =	wrdreg s5  }
0xaa: {  	[dreg:$0x4] =	wrdreg $0xC0  }
0xab: {  	_ =	task [dreg:s7], $0x5FFFF  }
0xac: {  	[dreg:$0x1] =	wrdreg $0xFFFFFFFF  }
0xad: {  	[dreg:$0x0] =	wrdreg $0x60  }
0xae: {  	[dreg:$0x2] =	wrdreg s24  }
0xaf: {  	[dreg:$0x3] =	wrdreg s2  }
0xb0: {  	[dreg:$0x4] =	wrdreg $0x3D000  }
0xb1: {  	[dreg:$0x5] =	wrdreg $0x3D300  }
0xb2: {  	[dreg:$0x6] =	wrdreg $0x9  }
0xb3: {  	_ =	task.clear_ibuf [dreg:s7], $0x7FFFF;
	_ =	strace $0x90000046  }
0xb4: {  	s29 =	simm.s32 $0x9;
	_ =	strace $0x80000048  }
0xb5: {  	_ =	swait.ge [sflag:s29], $0x1  }
0xb6: {  	[sflag:s29] =	ssyncadd.s32 $0xFFFFFFFF  }
0xb7: {  	_ =	strace $0x90000048  }
0xb8: {  	_ =	sfence  }
0xb9: {  	s30 =	sld [smem:$0x0];
	_ =	sdelay $0x2  }
0xba: {  	s31 =	sshll.u32 s1, $0xD;
	s1 =	sshrl.u32 s1, $0x2  }
0xbb: {  	s3 =	sand.u32 $0x4000, s31;
	s1 =	sadd.s32 s1, s30  }
0xbc: {  	s0 =	sor.u32 s3, s0;
	s1 =	sshll.u32 s1, $0x11  }
0xbd: {  	s0 =	sor.u32 s1, s0  }
0xbe: {  	s0 =	sadd.s32 $0x8F2B, s0  }
0xbf: {  	[sflag:s0] =	ssyncadd.remote.s32 $0x1  }
0xc0: {  	_ =	sfence.sel $0xFFFF  }
0xc1: {  	[dreg:$0x0] =	wrdreg $0xFFFFFFFF;
	(pc) =	sbr.abs _section_cstart, $3  }
0xc2: {  	[dreg:$0x1] =	wrdreg $0xFFFFFFFF  }
0xc3: {  	_ =	task.clear_ibuf [dreg:s7], $0x2FFFF;
	_ =	strace $0x9FFFFFFF  }
0xc4: {  	(tm) =	ssettm $0x7FFFFFFF  }
0xc5: {  	_ =	shalt  }
tec
execute0_lowered:
.L_overlay_start_1:
0x0: {  	(tag) =	ssettag $0x1  }
0x1: {  	s0 =	stileid.u32;
	v0 =	vlaneseq.u32  }
0x2: {  	s1 =	smul.u32 $0x1880, s0;
	v1 =	vmul.u32 $0x10, v0  }
0x3: {  	v3 =	vimm.f32 $0.0e+00;
	v4 =	vimm.f32 $-Inf;
	v5 =	vimm.s32 $0x40000000  }
0x4: {  	v2 =	vmov s1;
	v6 =	vor.u32 $0x1800, v1;
	v11 =	vor.u32 $0x1805, v1  }
0x5: {  	s6 =	rddreg [dreg:$0x0];
	v12 =	vor.u32 $0x1806, v1;
	v13 =	vor.u32 $0x1807, v1;
	v14 =	vor.u32 $0x1808, v1  }
0x6: {  	s10 =	rddreg [dreg:$0x1];
	v15 =	vor.u32 $0x1809, v1;
	v16 =	vor.u32 $0x180A, v1;
	v17 =	vor.u32 $0x180B, v1  }
0x7: {  	s2 =	rddreg [dreg:$0x2];
	v18 =	vor.u32 $0x180C, v1;
	v19 =	vor.u32 $0x180D, v1;
	v20 =	vor.u32 $0x180E, v1  }
0x8: {  	s4 =	rddreg [dreg:$0x3];
	v21 =	vor.u32 $0x180F, v1;
	v22 =	vor.u32 $0x1, v1;
	v23 =	vor.u32 $0x2, v1  }
0x9: {  	s7 =	srdreg.scid;
	s3 =	rddreg [dreg:$0x4];
	v24 =	vor.u32 $0x3, v1;
	v25 =	vor.u32 $0x4, v1;
	v26 =	vor.u32 $0x5, v1  }
0xa: {  	s5 =	simm.s32 $0x0;
	s14 =	simm.s32 $0x3480;
	s15 =	simm.s32 $0x3500;
	v27 =	vor.u32 $0x6, v1;
	v28 =	vor.u32 $0x7, v1;
	v29 =	vor.u32 $0x8, v1  }
0xb: {  	s16 =	simm.s32 $0x3400;
	s17 =	simm.s32 $0x3580;
	s18 =	simm.s32 $0x3880;
	v30 =	vor.u32 $0x9, v1;
	v31 =	vor.u32 $0xA, v1;
	v32 =	vor.u32 $0xB, v1  }
0xc: {  	s19 =	simm.s32 $0x3B80;
	s20 =	simm.s32 $0x3C80;
	s21 =	simm.s32 $0x1900;
	v33 =	vor.u32 $0xC, v1;
	v34 =	vor.u32 $0xD, v1;
	v35 =	vor.u32 $0xE, v1  }
0xd: {  	s22 =	simm.s32 $0x0;
	s12 =	sand.u32 $0x1, s7;
	[smem:$0x7FF] =	sst s5;
	v36 =	vor.u32 $0xF, v1;
	v37 =	vor.u32 $0x100, v1;
	v38 =	vor.u32 $0x101, v1  }
0xe: {  	s11 =	smul.u32 $0x30, s0;
	p1 =	seq.s32 s0, $0xF;
	s7 =	ssub.s32 $0x2, s12;
	v39 =	vor.u32 $0x102, v1;
	v40 =	vor.u32 $0x103, v1;
	[tilespmem:$0x1FFB0] =	vst v6;
	v6 =	vor.u32 $0x1801, v1  }
.Ltmp0:
0xf: {  	p0 =	sne.s32 s12, $0x0;
	s9 =	sshrl.u32 s1, $0x3;
	v41 =	vor.u32 $0x104, v1;
	v42 =	vor.u32 $0x105, v1;
	[tilespmem:$0x1FFC0] =	vst v6;
	v6 =	vor.u32 $0x1802, v1;
	(pc) =	sbr.rel .LBB2_1-.Ltmp0, $4  }
0x10: {  	s12 =	simm.s32 $0x1;
	s8 =	sshrl.u32 s7, $0x1;
	v43 =	vor.u32 $0x106, v1;
	v44 =	vor.u32 $0x107, v1;
	s6 =	sadd.s32 s9, s6;
	[tilespmem:$0x1FFD0] =	vst v6;
	v6 =	vor.u32 $0x1803, v1  }
0x11: {  	v45 =	vor.u32 $0x108, v1;
	v46 =	vor.u32 $0x109, v1;
	s13 =	ssub.s32 s7, s8;
	s7 =	sadd.s32 s11, s2;
	s8 =	sadd.s32 s11, s4;
	[tilespmem:$0x1FFE0] =	vst v6;
	v6 =	vor.u32 $0x1804, v1  }
0x12: {  	v47 =	vor.u32 $0x10A, v1;
	v48 =	vor.u32 $0x10B, v1;
	v49 =	vor.u32 $0x10C, v1;
	s9 =	sadd.s32 s10, s9;
	s10 =	sadd.s32 $0x2DF0, s10;
	s6 =	sadd.s32 $0x800, s6;
	[tilespmem:$0x1FFF0] =	vst v6  }
0x13: {  	v50 =	vor.u32 $0x10D, v1;
	v51 =	vor.u32 $0x10E, v1;
	v52 =	vor.u32 $0x10F, v1;
	s11 =	smax.u32 s13, $0x1;
	s13 =	simm.s32 $0x3200;
	_ =	strace $0x80000047  }
.LBB2_13:
0x14: {  	[bflag:$0x0] =	sbarrier.arrive $0xFFFF  }
.LBB2_14:
0x15: {  	s22 =	sadd.s32 $0x1, s22  }
0x16: {  	p2 =	sne.s32 s22, s11  }
.Ltmp1:
0x17: {  	_ = 	snop;
	(pc) =	sbr.rel @!p2 .LBB2_15-.Ltmp1, $1  }
0x18: {  	_ =	sdelay $0x3  }
.LBB2_1:
.Ltmp2:
0x19: {  	(pc) =	sbr.rel @p0 .LBB2_13-.Ltmp2, $1  }
0x1a: {  	_ =	sdelay $0x3  }
0x1b: {  	[tilespmem:s5], [sflag:$0x1] =	stream.linear.gather [hbm4b:s6+s5], $0x1880, $0x38;
	[tilespmem:$0x3D60] =	vst v63  }
0x1c: {  	s23 =	simm.s32 $0x1940  }
0x1d: {  	[tilespmem:s23+$0xFFFFFFC0] =	vst v3  }
0x1e: {  	[tilespmem:s23+$0x30] =	vst v3  }
0x1f: {  	[tilespmem:s23+$0x20] =	vst v3  }
0x20: {  	[tilespmem:s23+$0x10] =	vst v3  }
0x21: {  	[tilespmem:s23+$0x0] =	vst v3  }
0x22: {  	[tilespmem:s23+$0xFFFFFFF0] =	vst v3  }
0x23: {  	s24 =	simm.s32 $0x0;
	[tilespmem:s23+$0xFFFFFFE0] =	vst v3  }
.LBB2_3:
0x24: {  	s24 =	sadd.s32 $0x8, s24;
	[tilespmem:s23+$0xFFFFFFD0] =	vst v3;
	s23 =	sadd.s32 $0x80, s23  }
0x25: {  	[tilespmem:s23+$0xFFFFFFC0] =	vst v3;
	p2 =	slt.u32 s24, $0x188  }
0x26: {  	[tilespmem:s23+$0x30] =	vst v3  }
.Ltmp3:
0x27: {  	[tilespmem:s23+$0x20] =	vst v3;
	(pc) =	sbr.rel @p2 .LBB2_3-.Ltmp3, $4  }
0x28: {  	[tilespmem:s23+$0x10] =	vst v3  }
0x29: {  	[tilespmem:s23+$0x0] =	vst v3  }
0x2a: {  	[tilespmem:s23+$0xFFFFFFF0] =	vst v3  }
0x2b: {  	[tilespmem:s23+$0xFFFFFFE0] =	vst v3  }
0x2c: {  	[tilespmem:s23+$0xFFFFFFD0] =	vst v3  }
0x2d: {  	[tilespmem:$0x1880] =	vst v4  }
0x2e: {  	[tilespmem:$0x1890] =	vst v4  }
0x2f: {  	[tilespmem:$0x18A0] =	vst v4  }
0x30: {  	[tilespmem:$0x18B0] =	vst v4  }
0x31: {  	[tilespmem:$0x18C0] =	vst v4  }
0x32: {  	[tilespmem:$0x18D0] =	vst v4  }
0x33: {  	[tilespmem:$0x18E0] =	vst v4  }
0x34: {  	[tilespmem:$0x18F0] =	vst v4  }
0x35: {  	[tilespmem:$0x3200] =	vst v4  }
0x36: {  	[tilespmem:$0x3210] =	vst v4  }
0x37: {  	[tilespmem:$0x3220] =	vst v4  }
0x38: {  	[tilespmem:$0x3230] =	vst v4  }
0x39: {  	[tilespmem:$0x3240] =	vst v4  }
0x3a: {  	[tilespmem:$0x3250] =	vst v4  }
0x3b: {  	[tilespmem:$0x3260] =	vst v4  }
0x3c: {  	[tilespmem:$0x3270] =	vst v4  }
0x3d: {  	[tilespmem:$0x3280] =	vst v4  }
0x3e: {  	[tilespmem:$0x3290] =	vst v4  }
0x3f: {  	[tilespmem:$0x32A0] =	vst v4  }
0x40: {  	[tilespmem:$0x32B0] =	vst v4  }
0x41: {  	[tilespmem:$0x32C0] =	vst v4  }
0x42: {  	[tilespmem:$0x32D0] =	vst v4  }
0x43: {  	[tilespmem:$0x32E0] =	vst v4  }
0x44: {  	[tilespmem:$0x32F0] =	vst v4  }
0x45: {  	[tilespmem:$0x3300] =	vst v4  }
0x46: {  	[tilespmem:$0x3310] =	vst v4  }
0x47: {  	[tilespmem:$0x3320] =	vst v4  }
0x48: {  	[tilespmem:$0x3330] =	vst v4  }
0x49: {  	[tilespmem:$0x3340] =	vst v4  }
0x4a: {  	[tilespmem:$0x3350] =	vst v4  }
0x4b: {  	[tilespmem:$0x3360] =	vst v4  }
0x4c: {  	[tilespmem:$0x3370] =	vst v4  }
0x4d: {  	[tilespmem:$0x3380] =	vst v4  }
0x4e: {  	[tilespmem:$0x3390] =	vst v4  }
0x4f: {  	[tilespmem:$0x33A0] =	vst v4  }
0x50: {  	[tilespmem:$0x33B0] =	vst v4  }
0x51: {  	[tilespmem:$0x33C0] =	vst v4  }
0x52: {  	[tilespmem:$0x33D0] =	vst v4  }
0x53: {  	[tilespmem:$0x33E0] =	vst v4  }
0x54: {  	[tilespmem:$0x33F0] =	vst v4  }
0x55: {  	[tilespmem:$0x3400] =	vst v4  }
0x56: {  	[tilespmem:$0x3410] =	vst v4  }
0x57: {  	[tilespmem:$0x3480] =	vst v4  }
0x58: {  	s29 =	simm.s32 $0x0;
	[tilespmem:$0x3490] =	vst v4  }
0x59: {  	v53 =	vmov s29;
	[tilespmem:$0x34A0] =	vst v4  }
0x5a: {  	[tilespmem:$0x3500] =	vst v5;
	v53 =	vshll.u32 v53, $0x4  }
0x5b: {  	[tilespmem:$0x3510] =	vst v5;
	v53 =	vor.u32 v1, v53  }
0x5c: {  	[tilespmem:$0x3520] =	vst v5;
	v54 =	vor.u32 $0x1, v53  }
0x5d: {  	_ =	swait.ge [sflag:s12], $0x1880;
	v55 =	vor.u32 $0x2, v53  }
0x5e: {  	[sflag:s12] =	ssyncset.done $0x0;
	v56 =	vor.u32 $0x3, v53  }
0x5f: {  	[sflag:s12] =	ssyncadd.s32 $0xFFFFE780;
	v57 =	vor.u32 $0x4, v53  }
0x60: {  	v58 =	vor.u32 $0x5, v53;
	v60 =	vld.idx.msk [tilespmem:v53+s5+$0x0], $0xffff  }
0x61: {  	v59 =	vor.u32 $0x6, v53;
	v54 =	vld.idx.msk [tilespmem:v54+s5+$0x0], $0xffff  }
0x62: {  	v61 =	vor.u32 $0x7, v53;
	v55 =	vld.idx.msk [tilespmem:v55+s5+$0x0], $0xffff  }
0x63: {  	v62 =	vor.u32 $0x8, v53;
	v56 =	vld.idx.msk [tilespmem:v56+s5+$0x0], $0xffff  }
0x64: {  	v63 =	vor.u32 $0x9, v53;
	v57 =	vld.idx.msk [tilespmem:v57+s5+$0x0], $0xffff  }
0x65: {  	v6 =	vor.u32 $0xA, v53;
	v58 =	vld.idx.msk [tilespmem:v58+s5+$0x0], $0xffff  }
0x66: {  	v7 =	vor.u32 $0xB, v53;
	v59 =	vld.idx.msk [tilespmem:v59+s5+$0x0], $0xffff;
	v54 =	vmax.f32 v60, v54  }
0x67: {  	v61 =	vld.idx.msk [tilespmem:v61+s5+$0x0], $0xffff;
	v60 =	vor.u32 $0xC, v53;
	v54 =	vmax.f32 v54, v55  }
0x68: {  	v62 =	vld.idx.msk [tilespmem:v62+s5+$0x0], $0xffff;
	v55 =	vor.u32 $0xD, v53;
	v54 =	vmax.f32 v54, v56  }
0x69: {  	v63 =	vld.idx.msk [tilespmem:v63+s5+$0x0], $0xffff;
	v56 =	vor.u32 $0xE, v53;
	v54 =	vmax.f32 v54, v57  }
0x6a: {  	v6 =	vld.idx.msk [tilespmem:v6+s5+$0x0], $0xffff;
	v53 =	vor.u32 $0xF, v53;
	v54 =	vmax.f32 v54, v58  }
0x6b: {  	v7 =	vld.idx.msk [tilespmem:v7+s5+$0x0], $0xffff;
	v54 =	vmax.f32 v54, v59  }
0x6c: {  	v60 =	vld.idx.msk [tilespmem:v60+s5+$0x0], $0xffff;
	v54 =	vmax.f32 v54, v61  }
0x6d: {  	v55 =	vld.idx.msk [tilespmem:v55+s5+$0x0], $0xffff;
	v54 =	vmax.f32 v54, v62  }
0x6e: {  	s30 =	simm.s32 $0x10;
	v56 =	vld.idx.msk [tilespmem:v56+s5+$0x0], $0xffff;
	v54 =	vmax.f32 v54, v63  }
0x6f: {  	v53 =	vld.idx.msk [tilespmem:v53+s5+$0x0], $0xffff;
	v62 =	vmov s30;
	v6 =	vmax.f32 v54, v6  }
0x70: {  	v6 =	vmax.f32 v6, v7;
	v7 =	vshll.u32 v62, $0x4  }
0x71: {  	v6 =	vmax.f32 v6, v60;
	v7 =	vor.u32 v1, v7  }
0x72: {  	v6 =	vmax.f32 v6, v55;
	v63 =	vor.u32 $0x1, v7  }
0x73: {  	v60 =	vor.u32 $0x2, v7;
	v6 =	vmax.f32 v6, v56  }
0x74: {  	s23 =	simm.s32 $0x3220;
	v61 =	vor.u32 $0x3, v7;
	v6 =	vmax.f32 v6, v53  }
0x75: {  	[tilespmem:s23+$0xFFFFFFE0] =	vst v6;
	v6 =	vor.u32 $0x4, v7  }
0x76: {  	v57 =	vor.u32 $0x5, v7;
	v56 =	vld.idx.msk [tilespmem:v7+s5+$0x0], $0xffff  }
0x77: {  	v58 =	vor.u32 $0x6, v7;
	v54 =	vld.idx.msk [tilespmem:v63+s5+$0x0], $0xffff  }
0x78: {  	v59 =	vor.u32 $0x7, v7;
	v55 =	vld.idx.msk [tilespmem:v60+s5+$0x0], $0xffff  }
0x79: {  	v53 =	vld.idx.msk [tilespmem:v61+s5+$0x0], $0xffff;
	v60 =	vor.u32 $0x8, v7  }
0x7a: {  	v61 =	vor.u32 $0x9, v7;
	v6 =	vld.idx.msk [tilespmem:v6+s5+$0x0], $0xffff  }
0x7b: {  	v62 =	vor.u32 $0xA, v7;
	v57 =	vld.idx.msk [tilespmem:v57+s5+$0x0], $0xffff  }
0x7c: {  	v58 =	vld.idx.msk [tilespmem:v58+s5+$0x0], $0xffff;
	v63 =	vor.u32 $0xB, v7;
	v54 =	vmax.f32 v56, v54  }
0x7d: {  	v56 =	vld.idx.msk [tilespmem:v59+s5+$0x0], $0xffff;
	v59 =	vor.u32 $0xC, v7;
	v54 =	vmax.f32 v54, v55  }
0x7e: {  	v55 =	vld.idx.msk [tilespmem:v60+s5+$0x0], $0xffff;
	v60 =	vor.u32 $0xD, v7;
	v53 =	vmax.f32 v54, v53  }
0x7f: {  	v54 =	vld.idx.msk [tilespmem:v61+s5+$0x0], $0xffff;
	v61 =	vor.u32 $0xE, v7;
	v6 =	vmax.f32 v53, v6  }
0x80: {  	v7 =	vor.u32 $0xF, v7;
	v53 =	vld.idx.msk [tilespmem:v62+s5+$0x0], $0xffff;
	v6 =	vmax.f32 v6, v57  }
0x81: {  	v57 =	vld.idx.msk [tilespmem:v63+s5+$0x0], $0xffff;
	v6 =	vmax.f32 v6, v58  }
0x82: {  	v58 =	vld.idx.msk [tilespmem:v59+s5+$0x0], $0xffff;
	v6 =	vmax.f32 v6, v56  }
0x83: {  	v62 =	vld.idx.msk [tilespmem:v60+s5+$0x0], $0xffff;
	v6 =	vmax.f32 v6, v55  }
0x84: {  	s24 =	simm.s32 $0x20;
	v63 =	vld.idx.msk [tilespmem:v61+s5+$0x0], $0xffff;
	v6 =	vmax.f32 v6, v54  }
0x85: {  	v59 =	vmov s24;
	v7 =	vld.idx.msk [tilespmem:v7+s5+$0x0], $0xffff;
	v6 =	vmax.f32 v6, v53  }
0x86: {  	v53 =	vshll.u32 v59, $0x4;
	v6 =	vmax.f32 v6, v57  }
0x87: {  	v53 =	vor.u32 v1, v53;
	v6 =	vmax.f32 v6, v58  }
0x88: {  	v60 =	vor.u32 $0x1, v53;
	v6 =	vmax.f32 v6, v62  }
0x89: {  	v61 =	vor.u32 $0x2, v53;
	v6 =	vmax.f32 v6, v63  }
0x8a: {  	v6 =	vmax.f32 v6, v7;
	v7 =	vor.u32 $0x3, v53  }
0x8b: {  	[tilespmem:s23+$0xFFFFFFF0] =	vst v6;
	v6 =	vor.u32 $0x4, v53  }
0x8c: {  	v57 =	vor.u32 $0x5, v53;
	v56 =	vld.idx.msk [tilespmem:v53+s5+$0x0], $0xffff  }
0x8d: {  	v58 =	vor.u32 $0x6, v53;
	v54 =	vld.idx.msk [tilespmem:v60+s5+$0x0], $0xffff  }
0x8e: {  	v59 =	vor.u32 $0x7, v53;
	v55 =	vld.idx.msk [tilespmem:v61+s5+$0x0], $0xffff  }
0x8f: {  	v60 =	vor.u32 $0x8, v53;
	v7 =	vld.idx.msk [tilespmem:v7+s5+$0x0], $0xffff  }
0x90: {  	v61 =	vor.u32 $0x9, v53;
	v6 =	vld.idx.msk [tilespmem:v6+s5+$0x0], $0xffff  }
0x91: {  	v62 =	vor.u32 $0xA, v53;
	v57 =	vld.idx.msk [tilespmem:v57+s5+$0x0], $0xffff  }
0x92: {  	v63 =	vor.u32 $0xB, v53;
	v58 =	vld.idx.msk [tilespmem:v58+s5+$0x0], $0xffff;
	v54 =	vmax.f32 v56, v54  }
0x93: {  	v56 =	vld.idx.msk [tilespmem:v59+s5+$0x0], $0xffff;
	v59 =	vor.u32 $0xC, v53;
	v54 =	vmax.f32 v54, v55  }
0x94: {  	v55 =	vld.idx.msk [tilespmem:v60+s5+$0x0], $0xffff;
	v60 =	vor.u32 $0xD, v53;
	v7 =	vmax.f32 v54, v7  }
0x95: {  	v54 =	vld.idx.msk [tilespmem:v61+s5+$0x0], $0xffff;
	v61 =	vor.u32 $0xE, v53;
	v6 =	vmax.f32 v7, v6  }
0x96: {  	v53 =	vor.u32 $0xF, v53;
	v7 =	vld.idx.msk [tilespmem:v62+s5+$0x0], $0xffff;
	v6 =	vmax.f32 v6, v57  }
0x97: {  	v57 =	vld.idx.msk [tilespmem:v63+s5+$0x0], $0xffff;
	v6 =	vmax.f32 v6, v58  }
0x98: {  	v62 =	vld.idx.msk [tilespmem:v59+s5+$0x0], $0xffff;
	v6 =	vmax.f32 v6, v56  }
0x99: {  	v63 =	vld.idx.msk [tilespmem:v60+s5+$0x0], $0xffff;
	v6 =	vmax.f32 v6, v55  }
0x9a: {  	s31 =	simm.s32 $0x30;
	v60 =	vld.idx.msk [tilespmem:v61+s5+$0x0], $0xffff;
	v6 =	vmax.f32 v6, v54  }
0x9b: {  	v53 =	vld.idx.msk [tilespmem:v53+s5+$0x0], $0xffff;
	v6 =	vmax.f32 v6, v7;
	v7 =	vmov s31  }
0x9c: {  	v6 =	vmax.f32 v6, v57;
	v7 =	vshll.u32 v7, $0x4  }
0x9d: {  	v6 =	vmax.f32 v6, v62;
	v7 =	vor.u32 v1, v7  }
0x9e: {  	v6 =	vmax.f32 v6, v63;
	v61 =	vor.u32 $0x1, v7  }
0x9f: {  	v62 =	vor.u32 $0x2, v7;
	v6 =	vmax.f32 v6, v60  }
0xa0: {  	v63 =	vor.u32 $0x3, v7;
	v6 =	vmax.f32 v6, v53  }
0xa1: {  	[tilespmem:s23+$0x0] =	vst v6;
	v6 =	vor.u32 $0x4, v7  }
0xa2: {  	v57 =	vor.u32 $0x5, v7;
	v56 =	vld.idx.msk [tilespmem:v7+s5+$0x0], $0xffff  }
0xa3: {  	v58 =	vor.u32 $0x6, v7;
	v54 =	vld.idx.msk [tilespmem:v61+s5+$0x0], $0xffff  }
0xa4: {  	v59 =	vor.u32 $0x7, v7;
	v55 =	vld.idx.msk [tilespmem:v62+s5+$0x0], $0xffff  }
0xa5: {  	v60 =	vor.u32 $0x8, v7;
	v53 =	vld.idx.msk [tilespmem:v63+s5+$0x0], $0xffff  }
0xa6: {  	v61 =	vor.u32 $0x9, v7;
	v6 =	vld.idx.msk [tilespmem:v6+s5+$0x0], $0xffff  }
0xa7: {  	v57 =	vld.idx.msk [tilespmem:v57+s5+$0x0], $0xffff;
	v62 =	vor.u32 $0xA, v7  }
0xa8: {  	v58 =	vld.idx.msk [tilespmem:v58+s5+$0x0], $0xffff;
	v63 =	vor.u32 $0xB, v7;
	v54 =	vmax.f32 v56, v54  }
0xa9: {  	v8 =	vor.u32 $0xC, v7;
	v59 =	vld.idx.msk [tilespmem:v59+s5+$0x0], $0xffff;
	v54 =	vmax.f32 v54, v55  }
0xaa: {  	v55 =	vld.idx.msk [tilespmem:v60+s5+$0x0], $0xffff;
	v60 =	vor.u32 $0xD, v7;
	v53 =	vmax.f32 v54, v53  }
0xab: {  	v9 =	vor.u32 $0xE, v7;
	v61 =	vld.idx.msk [tilespmem:v61+s5+$0x0], $0xffff;
	v6 =	vmax.f32 v53, v6  }
0xac: {  	v62 =	vld.idx.msk [tilespmem:v62+s5+$0x0], $0xffff;
	v7 =	vor.u32 $0xF, v7;
	v6 =	vmax.f32 v6, v57  }
0xad: {  	v56 =	vld.idx.msk [tilespmem:v63+s5+$0x0], $0xffff;
	v6 =	vmax.f32 v6, v58  }
0xae: {  	v53 =	vld.idx.msk [tilespmem:v8+s5+$0x0], $0xffff;
	v6 =	vmax.f32 v6, v59  }
0xaf: {  	s24 =	simm.s32 $0x40;
	v54 =	vld.idx.msk [tilespmem:v60+s5+$0x0], $0xffff;
	v6 =	vmax.f32 v6, v55  }
0xb0: {  	v8 =	vmov s24;
	v55 =	vld.idx.msk [tilespmem:v9+s5+$0x0], $0xffff;
	v6 =	vmax.f32 v6, v61  }
0xb1: {  	s26 =	simm.s32 $0x4;
	s25 =	simm.s32 $0x3220;
	v58 =	vshll.u32 v8, $0x4;
	v57 =	vld.idx.msk [tilespmem:v7+s5+$0x0], $0xffff;
	v59 =	vmax.f32 v6, v62  }
.LBB2_5:
0xb2: {  	s26 =	sadd.s32 $0x4, s26;
	v6 =	vor.u32 v1, v58;
	v7 =	vmax.f32 v59, v56;
	s23 =	sadd.s32 $0x40, s23  }
0xb3: {  	p2 =	slt.u32 s26, $0x14;
	v8 =	vor.u32 $0x1, v6;
	v9 =	vor.u32 $0x2, v6;
	v7 =	vmax.f32 v7, v53  }
0xb4: {  	v53 =	vor.u32 $0x3, v6;
	v56 =	vor.u32 $0x4, v6;
	v7 =	vmax.f32 v7, v54  }
0xb5: {  	v58 =	vor.u32 $0x6, v6;
	v54 =	vor.u32 $0x5, v6;
	v7 =	vmax.f32 v7, v55  }
0xb6: {  	v59 =	vor.u32 $0x8, v6;
	v55 =	vor.u32 $0x7, v6;
	v7 =	vmax.f32 v7, v57  }
0xb7: {  	v60 =	vor.u32 $0xA, v6;
	v61 =	vor.u32 $0xB, v6;
	v57 =	vor.u32 $0x9, v6;
	[tilespmem:s25+$0x10] =	vst v7;
	s25 =	smov.u32 s23  }
0xb8: {  	v62 =	vor.u32 $0xD, v6;
	v63 =	vor.u32 $0xE, v6;
	v7 =	vld.idx.msk [tilespmem:v9+s5+$0x0], $0xffff;
	v9 =	vor.u32 $0xC, v6  }
0xb9: {  	v10 =	vor.u32 $0xF, v6;
	v8 =	vld.idx.msk [tilespmem:v8+s5+$0x0], $0xffff  }
0xba: {  	v6 =	vld.idx.msk [tilespmem:v6+s5+$0x0], $0xffff;
	_ =	sdelay $0x1  }
0xbb: {  	v53 =	vld.idx.msk [tilespmem:v53+s5+$0x0], $0xffff  }
0xbc: {  	v56 =	vld.idx.msk [tilespmem:v56+s5+$0x0], $0xffff  }
0xbd: {  	v54 =	vld.idx.msk [tilespmem:v54+s5+$0x0], $0xffff  }
0xbe: {  	v58 =	vld.idx.msk [tilespmem:v58+s5+$0x0], $0xffff  }
0xbf: {  	v6 =	vmax.f32 v6, v8;
	v8 =	vld.idx.msk [tilespmem:v55+s5+$0x0], $0xffff  }
0xc0: {  	v6 =	vmax.f32 v6, v7;
	v7 =	vld.idx.msk [tilespmem:v59+s5+$0x0], $0xffff  }
0xc1: {  	v6 =	vmax.f32 v6, v53;
	v53 =	vld.idx.msk [tilespmem:v57+s5+$0x0], $0xffff  }
0xc2: {  	v6 =	vmax.f32 v6, v56;
	v55 =	vld.idx.msk [tilespmem:v60+s5+$0x0], $0xffff  }
0xc3: {  	v6 =	vmax.f32 v6, v54;
	v54 =	vld.idx.msk [tilespmem:v61+s5+$0x0], $0xffff  }
0xc4: {  	v6 =	vmax.f32 v6, v58;
	v9 =	vld.idx.msk [tilespmem:v9+s5+$0x0], $0xffff  }
0xc5: {  	v6 =	vmax.f32 v6, v8;
	v8 =	vld.idx.msk [tilespmem:v62+s5+$0x0], $0xffff  }
0xc6: {  	v6 =	vmax.f32 v6, v7;
	v7 =	vld.idx.msk [tilespmem:v63+s5+$0x0], $0xffff  }
0xc7: {  	s28 =	sadd.s32 $0x10, s24;
	v6 =	vmax.f32 v6, v53;
	v10 =	vld.idx.msk [tilespmem:v10+s5+$0x0], $0xffff  }
0xc8: {  	v53 =	vmov s28;
	v6 =	vmax.f32 v6, v55  }
0xc9: {  	v53 =	vshll.u32 v53, $0x4;
	v6 =	vmax.f32 v6, v54  }
0xca: {  	v6 =	vmax.f32 v6, v9;
	v9 =	vor.u32 v1, v53  }
0xcb: {  	v6 =	vmax.f32 v6, v8;
	v8 =	vor.u32 $0x1, v9  }
0xcc: {  	v6 =	vmax.f32 v6, v7;
	v7 =	vor.u32 $0x2, v9  }
0xcd: {  	v6 =	vmax.f32 v6, v10;
	v10 =	vor.u32 $0x3, v9  }
0xce: {  	[tilespmem:s23+$0xFFFFFFE0] =	vst v6;
	v6 =	vor.u32 $0x4, v9  }
0xcf: {  	v54 =	vor.u32 $0x5, v9;
	v53 =	vld.idx.msk [tilespmem:v9+s5+$0x0], $0xffff  }
0xd0: {  	v55 =	vor.u32 $0x6, v9;
	v8 =	vld.idx.msk [tilespmem:v8+s5+$0x0], $0xffff  }
0xd1: {  	v56 =	vor.u32 $0x7, v9;
	v7 =	vld.idx.msk [tilespmem:v7+s5+$0x0], $0xffff  }
0xd2: {  	v57 =	vor.u32 $0x8, v9;
	v10 =	vld.idx.msk [tilespmem:v10+s5+$0x0], $0xffff  }
0xd3: {  	v58 =	vor.u32 $0x9, v9;
	v6 =	vld.idx.msk [tilespmem:v6+s5+$0x0], $0xffff  }
0xd4: {  	v59 =	vor.u32 $0xA, v9;
	v54 =	vld.idx.msk [tilespmem:v54+s5+$0x0], $0xffff  }
0xd5: {  	v60 =	vor.u32 $0xB, v9;
	v55 =	vld.idx.msk [tilespmem:v55+s5+$0x0], $0xffff  }
0xd6: {  	v8 =	vmax.f32 v53, v8;
	v53 =	vld.idx.msk [tilespmem:v56+s5+$0x0], $0xffff;
	v56 =	vor.u32 $0xC, v9  }
0xd7: {  	v7 =	vmax.f32 v8, v7;
	v8 =	vld.idx.msk [tilespmem:v57+s5+$0x0], $0xffff;
	v57 =	vor.u32 $0xD, v9  }
0xd8: {  	v7 =	vmax.f32 v7, v10;
	v10 =	vld.idx.msk [tilespmem:v58+s5+$0x0], $0xffff;
	v58 =	vor.u32 $0xE, v9  }
0xd9: {  	v6 =	vmax.f32 v7, v6;
	v9 =	vor.u32 $0xF, v9;
	v7 =	vld.idx.msk [tilespmem:v59+s5+$0x0], $0xffff  }
0xda: {  	v6 =	vmax.f32 v6, v54;
	v54 =	vld.idx.msk [tilespmem:v60+s5+$0x0], $0xffff  }
0xdb: {  	v6 =	vmax.f32 v6, v55;
	v55 =	vld.idx.msk [tilespmem:v56+s5+$0x0], $0xffff  }
0xdc: {  	v6 =	vmax.f32 v6, v53;
	v53 =	vld.idx.msk [tilespmem:v57+s5+$0x0], $0xffff  }
0xdd: {  	v6 =	vmax.f32 v6, v8;
	v8 =	vld.idx.msk [tilespmem:v58+s5+$0x0], $0xffff  }
0xde: {  	s28 =	sadd.s32 $0x20, s24;
	v6 =	vmax.f32 v6, v10;
	v9 =	vld.idx.msk [tilespmem:v9+s5+$0x0], $0xffff  }
0xdf: {  	v6 =	vmax.f32 v6, v7;
	v7 =	vmov s28  }
0xe0: {  	v6 =	vmax.f32 v6, v54;
	v7 =	vshll.u32 v7, $0x4  }
0xe1: {  	v6 =	vmax.f32 v6, v55;
	v7 =	vor.u32 v1, v7  }
0xe2: {  	v6 =	vmax.f32 v6, v53;
	v10 =	vor.u32 $0x1, v7  }
0xe3: {  	v6 =	vmax.f32 v6, v8;
	v8 =	vor.u32 $0x2, v7  }
0xe4: {  	v6 =	vmax.f32 v6, v9;
	v9 =	vor.u32 $0x3, v7  }
0xe5: {  	[tilespmem:s23+$0xFFFFFFF0] =	vst v6;
	v6 =	vor.u32 $0x4, v7  }
0xe6: {  	v54 =	vor.u32 $0x5, v7;
	v53 =	vld.idx.msk [tilespmem:v7+s5+$0x0], $0xffff  }
0xe7: {  	v55 =	vor.u32 $0x6, v7;
	v10 =	vld.idx.msk [tilespmem:v10+s5+$0x0], $0xffff  }
0xe8: {  	v56 =	vor.u32 $0x7, v7;
	v8 =	vld.idx.msk [tilespmem:v8+s5+$0x0], $0xffff  }
0xe9: {  	v57 =	vor.u32 $0x8, v7;
	v9 =	vld.idx.msk [tilespmem:v9+s5+$0x0], $0xffff  }
0xea: {  	v58 =	vor.u32 $0x9, v7;
	v6 =	vld.idx.msk [tilespmem:v6+s5+$0x0], $0xffff  }
0xeb: {  	v59 =	vor.u32 $0xA, v7;
	v54 =	vld.idx.msk [tilespmem:v54+s5+$0x0], $0xffff  }
0xec: {  	v60 =	vor.u32 $0xB, v7;
	v55 =	vld.idx.msk [tilespmem:v55+s5+$0x0], $0xffff  }
0xed: {  	v10 =	vmax.f32 v53, v10;
	v53 =	vld.idx.msk [tilespmem:v56+s5+$0x0], $0xffff;
	v56 =	vor.u32 $0xC, v7  }
0xee: {  	v8 =	vmax.f32 v10, v8;
	v10 =	vld.idx.msk [tilespmem:v57+s5+$0x0], $0xffff;
	v57 =	vor.u32 $0xD, v7  }
0xef: {  	v8 =	vmax.f32 v8, v9;
	v9 =	vld.idx.msk [tilespmem:v58+s5+$0x0], $0xffff;
	v58 =	vor.u32 $0xE, v7  }
0xf0: {  	v6 =	vmax.f32 v8, v6;
	v7 =	vor.u32 $0xF, v7;
	v8 =	vld.idx.msk [tilespmem:v59+s5+$0x0], $0xffff  }
0xf1: {  	v6 =	vmax.f32 v6, v54;
	v54 =	vld.idx.msk [tilespmem:v60+s5+$0x0], $0xffff  }
0xf2: {  	v6 =	vmax.f32 v6, v55;
	v55 =	vld.idx.msk [tilespmem:v56+s5+$0x0], $0xffff  }
0xf3: {  	v6 =	vmax.f32 v6, v53;
	v53 =	vld.idx.msk [tilespmem:v57+s5+$0x0], $0xffff  }
0xf4: {  	v6 =	vmax.f32 v6, v10;
	v10 =	vld.idx.msk [tilespmem:v58+s5+$0x0], $0xffff  }
0xf5: {  	s28 =	sadd.s32 $0x30, s24;
	v6 =	vmax.f32 v6, v9;
	v7 =	vld.idx.msk [tilespmem:v7+s5+$0x0], $0xffff  }
0xf6: {  	v6 =	vmax.f32 v6, v8;
	v8 =	vmov s28  }
0xf7: {  	v6 =	vmax.f32 v6, v54;
	v8 =	vshll.u32 v8, $0x4  }
0xf8: {  	v6 =	vmax.f32 v6, v55;
	v8 =	vor.u32 v1, v8  }
0xf9: {  	v6 =	vmax.f32 v6, v53;
	v9 =	vor.u32 $0x1, v8  }
0xfa: {  	v6 =	vmax.f32 v6, v10;
	v10 =	vor.u32 $0x2, v8  }
0xfb: {  	v6 =	vmax.f32 v6, v7;
	v7 =	vor.u32 $0x3, v8  }
0xfc: {  	[tilespmem:s23+$0x0] =	vst v6;
	v6 =	vor.u32 $0x4, v8  }
0xfd: {  	v54 =	vor.u32 $0x5, v8;
	v53 =	vld.idx.msk [tilespmem:v8+s5+$0x0], $0xffff  }
0xfe: {  	v55 =	vor.u32 $0x6, v8;
	v9 =	vld.idx.msk [tilespmem:v9+s5+$0x0], $0xffff  }
0xff: {  	v56 =	vor.u32 $0x7, v8;
	v10 =	vld.idx.msk [tilespmem:v10+s5+$0x0], $0xffff  }
0x100: {  	v57 =	vor.u32 $0x8, v8;
	v7 =	vld.idx.msk [tilespmem:v7+s5+$0x0], $0xffff  }
0x101: {  	v58 =	vor.u32 $0x9, v8;
	v6 =	vld.idx.msk [tilespmem:v6+s5+$0x0], $0xffff  }
0x102: {  	v59 =	vor.u32 $0xA, v8;
	v54 =	vld.idx.msk [tilespmem:v54+s5+$0x0], $0xffff  }
0x103: {  	v60 =	vor.u32 $0xB, v8;
	v55 =	vld.idx.msk [tilespmem:v55+s5+$0x0], $0xffff  }
0x104: {  	v9 =	vmax.f32 v53, v9;
	v53 =	vor.u32 $0xC, v8;
	v61 =	vld.idx.msk [tilespmem:v56+s5+$0x0], $0xffff  }
0x105: {  	v9 =	vmax.f32 v9, v10;
	v10 =	vld.idx.msk [tilespmem:v57+s5+$0x0], $0xffff;
	v57 =	vor.u32 $0xD, v8  }
0x106: {  	v7 =	vmax.f32 v9, v7;
	v9 =	vld.idx.msk [tilespmem:v58+s5+$0x0], $0xffff;
	v58 =	vor.u32 $0xE, v8  }
0x107: {  	v6 =	vmax.f32 v7, v6;
	v8 =	vor.u32 $0xF, v8;
	v7 =	vld.idx.msk [tilespmem:v59+s5+$0x0], $0xffff  }
0x108: {  	v6 =	vmax.f32 v6, v54;
	v56 =	vld.idx.msk [tilespmem:v60+s5+$0x0], $0xffff  }
.Ltmp4:
0x109: {  	v6 =	vmax.f32 v6, v55;
	v53 =	vld.idx.msk [tilespmem:v53+s5+$0x0], $0xffff;
	(pc) =	sbr.rel @p2 .LBB2_5-.Ltmp4, $4  }
0x10a: {  	v6 =	vmax.f32 v6, v61;
	v54 =	vld.idx.msk [tilespmem:v57+s5+$0x0], $0xffff  }
0x10b: {  	s24 =	sadd.s32 $0x40, s24;
	v6 =	vmax.f32 v6, v10;
	v55 =	vld.idx.msk [tilespmem:v58+s5+$0x0], $0xffff  }
0x10c: {  	v10 =	vmov s24;
	v6 =	vmax.f32 v6, v9;
	v57 =	vld.idx.msk [tilespmem:v8+s5+$0x0], $0xffff  }
0x10d: {  	v58 =	vshll.u32 v10, $0x4;
	v59 =	vmax.f32 v6, v7  }
0x10e: {  	v6 =	vor.u32 v1, v58;
	v7 =	vmax.f32 v59, v56  }
0x10f: {  	v8 =	vor.u32 $0x1, v6;
	v7 =	vmax.f32 v7, v53  }
0x110: {  	v7 =	vmax.f32 v7, v54  }
0x111: {  	v9 =	vor.u32 $0x2, v6;
	v7 =	vmax.f32 v7, v55  }
0x112: {  	v10 =	vor.u32 $0x3, v6;
	v7 =	vmax.f32 v7, v57  }
0x113: {  	v62 =	vor.u32 $0x4, v6;
	[tilespmem:s25+$0x10] =	vst v7  }
0x114: {  	v7 =	vor.u32 $0x5, v6;
	v8 =	vld.idx.msk [tilespmem:v8+s5+$0x0], $0xffff  }
0x115: {  	v54 =	vor.u32 $0x6, v6;
	v63 =	vld.idx.msk [tilespmem:v6+s5+$0x0], $0xffff  }
0x116: {  	v60 =	vor.u32 $0x7, v6;
	v9 =	vld.idx.msk [tilespmem:v9+s5+$0x0], $0xffff  }
0x117: {  	v61 =	vor.u32 $0x8, v6;
	v10 =	vld.idx.msk [tilespmem:v10+s5+$0x0], $0xffff  }
0x118: {  	v58 =	vor.u32 $0x9, v6;
	v53 =	vld.idx.msk [tilespmem:v62+s5+$0x0], $0xffff  }
0x119: {  	v62 =	vor.u32 $0xA, v6;
	v7 =	vld.idx.msk [tilespmem:v7+s5+$0x0], $0xffff  }
0x11a: {  	v54 =	vld.idx.msk [tilespmem:v54+s5+$0x0], $0xffff;
	v8 =	vmax.f32 v63, v8;
	v63 =	vor.u32 $0xB, v6  }
0x11b: {  	v56 =	vld.idx.msk [tilespmem:v60+s5+$0x0], $0xffff;
	v8 =	vmax.f32 v8, v9;
	v9 =	vor.u32 $0xC, v6  }
0x11c: {  	v57 =	vld.idx.msk [tilespmem:v61+s5+$0x0], $0xffff;
	v8 =	vmax.f32 v8, v10;
	v10 =	vor.u32 $0xD, v6  }
0x11d: {  	v60 =	vor.u32 $0xE, v6;
	v58 =	vld.idx.msk [tilespmem:v58+s5+$0x0], $0xffff;
	v8 =	vmax.f32 v8, v53  }
0x11e: {  	v59 =	vld.idx.msk [tilespmem:v62+s5+$0x0], $0xffff;
	v6 =	vor.u32 $0xF, v6;
	v7 =	vmax.f32 v8, v7  }
0x11f: {  	v8 =	vld.idx.msk [tilespmem:v63+s5+$0x0], $0xffff;
	v7 =	vmax.f32 v7, v54  }
0x120: {  	v9 =	vld.idx.msk [tilespmem:v9+s5+$0x0], $0xffff;
	v7 =	vmax.f32 v7, v56  }
0x121: {  	v10 =	vld.idx.msk [tilespmem:v10+s5+$0x0], $0xffff;
	v7 =	vmax.f32 v7, v57  }
0x122: {  	s31 =	sadd.s32 $0x10, s24;
	v53 =	vld.idx.msk [tilespmem:v60+s5+$0x0], $0xffff;
	v7 =	vmax.f32 v7, v58  }
0x123: {  	v61 =	vmov s31;
	v6 =	vld.idx.msk [tilespmem:v6+s5+$0x0], $0xffff;
	v7 =	vmax.f32 v7, v59  }
0x124: {  	v7 =	vmax.f32 v7, v8;
	v8 =	vshll.u32 v61, $0x4  }
0x125: {  	v7 =	vmax.f32 v7, v9;
	v8 =	vor.u32 v1, v8  }
0x126: {  	v7 =	vmax.f32 v7, v10;
	v9 =	vor.u32 $0x1, v8  }
0x127: {  	v10 =	vor.u32 $0x2, v8;
	v7 =	vmax.f32 v7, v53  }
0x128: {  	s23 =	sadd.s32 $0x40, s23;
	v6 =	vmax.f32 v7, v6;
	v7 =	vor.u32 $0x3, v8  }
0x129: {  	[tilespmem:s23+$0xFFFFFFE0] =	vst v6;
	v6 =	vor.u32 $0x4, v8  }
0x12a: {  	v62 =	vor.u32 $0x5, v8;
	v53 =	vld.idx.msk [tilespmem:v8+s5+$0x0], $0xffff  }
0x12b: {  	v63 =	vor.u32 $0x6, v8;
	v9 =	vld.idx.msk [tilespmem:v9+s5+$0x0], $0xffff  }
0x12c: {  	v56 =	vor.u32 $0x7, v8;
	v10 =	vld.idx.msk [tilespmem:v10+s5+$0x0], $0xffff  }
0x12d: {  	v60 =	vor.u32 $0x8, v8;
	v7 =	vld.idx.msk [tilespmem:v7+s5+$0x0], $0xffff  }
0x12e: {  	v61 =	vor.u32 $0x9, v8;
	v6 =	vld.idx.msk [tilespmem:v6+s5+$0x0], $0xffff  }
0x12f: {  	v54 =	vld.idx.msk [tilespmem:v62+s5+$0x0], $0xffff;
	v62 =	vor.u32 $0xA, v8  }
0x130: {  	v55 =	vld.idx.msk [tilespmem:v63+s5+$0x0], $0xffff;
	v63 =	vor.u32 $0xB, v8;
	v9 =	vmax.f32 v53, v9  }
0x131: {  	v56 =	vld.idx.msk [tilespmem:v56+s5+$0x0], $0xffff;
	v9 =	vmax.f32 v9, v10;
	v10 =	vor.u32 $0xC, v8  }
0x132: {  	v57 =	vld.idx.msk [tilespmem:v60+s5+$0x0], $0xffff;
	v7 =	vmax.f32 v9, v7;
	v9 =	vor.u32 $0xD, v8  }
0x133: {  	v58 =	vld.idx.msk [tilespmem:v61+s5+$0x0], $0xffff;
	v6 =	vmax.f32 v7, v6;
	v7 =	vor.u32 $0xE, v8  }
0x134: {  	v59 =	vld.idx.msk [tilespmem:v62+s5+$0x0], $0xffff;
	v8 =	vor.u32 $0xF, v8;
	v6 =	vmax.f32 v6, v54  }
0x135: {  	v53 =	vld.idx.msk [tilespmem:v63+s5+$0x0], $0xffff;
	v6 =	vmax.f32 v6, v55  }
0x136: {  	v10 =	vld.idx.msk [tilespmem:v10+s5+$0x0], $0xffff;
	v6 =	vmax.f32 v6, v56  }
0x137: {  	v9 =	vld.idx.msk [tilespmem:v9+s5+$0x0], $0xffff;
	v6 =	vmax.f32 v6, v57  }
0x138: {  	s26 =	sadd.s32 $0x20, s24;
	v7 =	vld.idx.msk [tilespmem:v7+s5+$0x0], $0xffff;
	v6 =	vmax.f32 v6, v58  }
0x139: {  	v60 =	vmov s26;
	v8 =	vld.idx.msk [tilespmem:v8+s5+$0x0], $0xffff;
	v6 =	vmax.f32 v6, v59  }
0x13a: {  	v61 =	vshll.u32 v60, $0x4;
	v6 =	vmax.f32 v6, v53  }
0x13b: {  	v6 =	vmax.f32 v6, v10;
	v10 =	vor.u32 v1, v61  }
0x13c: {  	v6 =	vmax.f32 v6, v9;
	v9 =	vor.u32 $0x1, v10  }
0x13d: {  	v6 =	vmax.f32 v6, v7;
	v7 =	vor.u32 $0x2, v10  }
0x13e: {  	v6 =	vmax.f32 v6, v8;
	v8 =	vor.u32 $0x3, v10  }
0x13f: {  	[tilespmem:s23+$0xFFFFFFF0] =	vst v6;
	v6 =	vor.u32 $0x4, v10  }
0x140: {  	v62 =	vor.u32 $0x5, v10;
	v53 =	vld.idx.msk [tilespmem:v10+s5+$0x0], $0xffff  }
0x141: {  	v63 =	vor.u32 $0x6, v10;
	v9 =	vld.idx.msk [tilespmem:v9+s5+$0x0], $0xffff  }
0x142: {  	v56 =	vor.u32 $0x7, v10;
	v7 =	vld.idx.msk [tilespmem:v7+s5+$0x0], $0xffff  }
0x143: {  	v60 =	vor.u32 $0x8, v10;
	v8 =	vld.idx.msk [tilespmem:v8+s5+$0x0], $0xffff  }
0x144: {  	v61 =	vor.u32 $0x9, v10;
	v6 =	vld.idx.msk [tilespmem:v6+s5+$0x0], $0xffff  }
0x145: {  	v54 =	vld.idx.msk [tilespmem:v62+s5+$0x0], $0xffff;
	v62 =	vor.u32 $0xA, v10  }
0x146: {  	v55 =	vld.idx.msk [tilespmem:v63+s5+$0x0], $0xffff;
	v63 =	vor.u32 $0xB, v10;
	v9 =	vmax.f32 v53, v9  }
0x147: {  	v56 =	vld.idx.msk [tilespmem:v56+s5+$0x0], $0xffff;
	v7 =	vmax.f32 v9, v7;
	v9 =	vor.u32 $0xC, v10  }
0x148: {  	v57 =	vld.idx.msk [tilespmem:v60+s5+$0x0], $0xffff;
	v7 =	vmax.f32 v7, v8;
	v8 =	vor.u32 $0xD, v10  }
0x149: {  	v58 =	vld.idx.msk [tilespmem:v61+s5+$0x0], $0xffff;
	v6 =	vmax.f32 v7, v6;
	v7 =	vor.u32 $0xE, v10  }
0x14a: {  	v59 =	vld.idx.msk [tilespmem:v62+s5+$0x0], $0xffff;
	v10 =	vor.u32 $0xF, v10;
	v6 =	vmax.f32 v6, v54  }
0x14b: {  	v53 =	vld.idx.msk [tilespmem:v63+s5+$0x0], $0xffff;
	v6 =	vmax.f32 v6, v55  }
0x14c: {  	v9 =	vld.idx.msk [tilespmem:v9+s5+$0x0], $0xffff;
	v6 =	vmax.f32 v6, v56  }
0x14d: {  	v8 =	vld.idx.msk [tilespmem:v8+s5+$0x0], $0xffff;
	v6 =	vmax.f32 v6, v57  }
0x14e: {  	s28 =	sadd.s32 $0x30, s24;
	v7 =	vld.idx.msk [tilespmem:v7+s5+$0x0], $0xffff;
	v6 =	vmax.f32 v6, v58  }
0x14f: {  	v10 =	vld.idx.msk [tilespmem:v10+s5+$0x0], $0xffff;
	v58 =	vmov s28;
	v6 =	vmax.f32 v6, v59  }
0x150: {  	v59 =	vshll.u32 v58, $0x4;
	v6 =	vmax.f32 v6, v53  }
0x151: {  	v6 =	vmax.f32 v6, v9;
	v9 =	vor.u32 v1, v59  }
0x152: {  	v6 =	vmax.f32 v6, v8;
	v8 =	vor.u32 $0x1, v9  }
0x153: {  	v6 =	vmax.f32 v6, v7;
	v7 =	vor.u32 $0x2, v9  }
0x154: {  	v6 =	vmax.f32 v6, v10;
	v10 =	vor.u32 $0x3, v9  }
0x155: {  	[tilespmem:s23+$0x0] =	vst v6;
	v6 =	vor.u32 $0x4, v9  }
0x156: {  	v60 =	vor.u32 $0x5, v9;
	v53 =	vld.idx.msk [tilespmem:v9+s5+$0x0], $0xffff  }
0x157: {  	v61 =	vor.u32 $0x6, v9;
	v8 =	vld.idx.msk [tilespmem:v8+s5+$0x0], $0xffff  }
0x158: {  	v56 =	vor.u32 $0x7, v9;
	v7 =	vld.idx.msk [tilespmem:v7+s5+$0x0], $0xffff  }
0x159: {  	v62 =	vor.u32 $0x8, v9;
	v10 =	vld.idx.msk [tilespmem:v10+s5+$0x0], $0xffff  }
0x15a: {  	v63 =	vor.u32 $0x9, v9;
	v6 =	vld.idx.msk [tilespmem:v6+s5+$0x0], $0xffff  }
0x15b: {  	v54 =	vld.idx.msk [tilespmem:v60+s5+$0x0], $0xffff;
	v60 =	vor.u32 $0xA, v9  }
0x15c: {  	v55 =	vld.idx.msk [tilespmem:v61+s5+$0x0], $0xffff;
	v61 =	vor.u32 $0xB, v9;
	v8 =	vmax.f32 v53, v8  }
0x15d: {  	v56 =	vld.idx.msk [tilespmem:v56+s5+$0x0], $0xffff;
	v7 =	vmax.f32 v8, v7;
	v8 =	vor.u32 $0xC, v9  }
0x15e: {  	v57 =	vld.idx.msk [tilespmem:v62+s5+$0x0], $0xffff;
	v7 =	vmax.f32 v7, v10;
	v10 =	vor.u32 $0xD, v9  }
0x15f: {  	v58 =	vld.idx.msk [tilespmem:v63+s5+$0x0], $0xffff;
	v6 =	vmax.f32 v7, v6;
	v7 =	vor.u32 $0xE, v9  }
0x160: {  	v62 =	vld.idx.msk [tilespmem:v60+s5+$0x0], $0xffff;
	v9 =	vor.u32 $0xF, v9;
	v6 =	vmax.f32 v6, v54  }
0x161: {  	v53 =	vld.idx.msk [tilespmem:v61+s5+$0x0], $0xffff;
	v6 =	vmax.f32 v6, v55  }
0x162: {  	v6 =	vmax.f32 v6, v56;
	v8 =	vld.idx.msk [tilespmem:v8+s5+$0x0], $0xffff  }
0x163: {  	v6 =	vmax.f32 v6, v57;
	v10 =	vld.idx.msk [tilespmem:v10+s5+$0x0], $0xffff  }
0x164: {  	v6 =	vmax.f32 v6, v58;
	v7 =	vld.idx.msk [tilespmem:v7+s5+$0x0], $0xffff  }
0x165: {  	v9 =	vld.idx.msk [tilespmem:v9+s5+$0x0], $0xffff;
	v6 =	vmax.f32 v6, v62  }
0x166: {  	v6 =	vmax.f32 v6, v53  }
0x167: {  	v6 =	vmax.f32 v6, v8  }
0x168: {  	v6 =	vmax.f32 v6, v10  }
0x169: {  	v6 =	vmax.f32 v6, v7  }
0x16a: {  	v7 =	vld [tilespmem:$0x1FFC0];
	v6 =	vmax.f32 v6, v9  }
0x16b: {  	[tilespmem:s23+$0x10] =	vst v6;
	v6 =	vld [tilespmem:$0x1FFB0]  }
0x16c: {  	v8 =	vld [tilespmem:$0x1FFD0]  }
0x16d: {  	v9 =	vld [tilespmem:$0x1FFE0]  }
0x16e: {  	v10 =	vld [tilespmem:$0x1FFF0];
	_ =	sdelay $0x2  }
0x16f: {  	s29 =	simm.s32 $0x0  }
0x170: {  	v7 =	vld.idx.msk [tilespmem:v7+s29+$0x0], $0xffff  }
0x171: {  	v6 =	vld.idx.msk [tilespmem:v6+s29+$0x0], $0xffff  }
0x172: {  	v8 =	vld.idx.msk [tilespmem:v8+s29+$0x0], $0xffff  }
0x173: {  	v9 =	vld.idx.msk [tilespmem:v9+s29+$0x0], $0xffff  }
0x174: {  	v10 =	vld.idx.msk [tilespmem:v10+s29+$0x0], $0xffff  }
0x175: {  	v63 =	vld.idx.msk [tilespmem:v11+s29+$0x0], $0xffff  }
0x176: {  	v6 =	vmax.f32 v6, v7;
	v7 =	vld.idx.msk [tilespmem:v12+s29+$0x0], $0xffff  }
0x177: {  	v6 =	vmax.f32 v6, v8;
	v8 =	vld.idx.msk [tilespmem:v13+s29+$0x0], $0xffff  }
0x178: {  	v6 =	vmax.f32 v6, v9;
	v9 =	vld.idx.msk [tilespmem:v14+s29+$0x0], $0xffff  }
0x179: {  	v6 =	vmax.f32 v6, v10;
	v10 =	vld.idx.msk [tilespmem:v15+s29+$0x0], $0xffff  }
0x17a: {  	v56 =	vld.idx.msk [tilespmem:v16+s29+$0x0], $0xffff;
	v6 =	vmax.f32 v6, v63  }
0x17b: {  	v6 =	vmax.f32 v6, v7;
	v7 =	vld.idx.msk [tilespmem:v17+s29+$0x0], $0xffff  }
0x17c: {  	v6 =	vmax.f32 v6, v8;
	v8 =	vld.idx.msk [tilespmem:v18+s29+$0x0], $0xffff  }
0x17d: {  	v6 =	vmax.f32 v6, v9;
	v9 =	vld.idx.msk [tilespmem:v19+s29+$0x0], $0xffff  }
0x17e: {  	v6 =	vmax.f32 v6, v10;
	v10 =	vld.idx.msk [tilespmem:v20+s29+$0x0], $0xffff  }
0x17f: {  	v57 =	vld.idx.msk [tilespmem:v21+s29+$0x0], $0xffff;
	v6 =	vmax.f32 v6, v56  }
0x180: {  	v6 =	vmax.f32 v6, v7  }
0x181: {  	v6 =	vmax.f32 v6, v8  }
0x182: {  	v6 =	vmax.f32 v6, v9  }
0x183: {  	v6 =	vmax.f32 v6, v10  }
0x184: {  	v6 =	vmax.f32 v6, v57  }
0x185: {  	[tilespmem:$0x3380] =	vst v6  }
0x186: {  	v6 =	vld.idx.msk [tilespmem:v1+s13+$0x0], $0xffff  }
0x187: {  	v7 =	vld.idx.msk [tilespmem:v22+s13+$0x0], $0xffff  }
0x188: {  	v8 =	vld.idx.msk [tilespmem:v23+s13+$0x0], $0xffff  }
0x189: {  	v9 =	vld.idx.msk [tilespmem:v24+s13+$0x0], $0xffff  }
0x18a: {  	v10 =	vld.idx.msk [tilespmem:v25+s13+$0x0], $0xffff  }
0x18b: {  	v58 =	vld.idx.msk [tilespmem:v26+s13+$0x0], $0xffff  }
0x18c: {  	v6 =	vmax.f32 v6, v7;
	v7 =	vld.idx.msk [tilespmem:v27+s13+$0x0], $0xffff  }
0x18d: {  	v6 =	vmax.f32 v6, v8;
	v8 =	vld.idx.msk [tilespmem:v28+s13+$0x0], $0xffff  }
0x18e: {  	v6 =	vmax.f32 v6, v9;
	v9 =	vld.idx.msk [tilespmem:v29+s13+$0x0], $0xffff  }
0x18f: {  	v6 =	vmax.f32 v6, v10;
	v10 =	vld.idx.msk [tilespmem:v30+s13+$0x0], $0xffff  }
0x190: {  	v59 =	vld.idx.msk [tilespmem:v31+s13+$0x0], $0xffff;
	v6 =	vmax.f32 v6, v58  }
0x191: {  	v6 =	vmax.f32 v6, v7;
	v7 =	vld.idx.msk [tilespmem:v32+s13+$0x0], $0xffff  }
0x192: {  	v6 =	vmax.f32 v6, v8;
	v8 =	vld.idx.msk [tilespmem:v33+s13+$0x0], $0xffff  }
0x193: {  	v6 =	vmax.f32 v6, v9;
	v9 =	vld.idx.msk [tilespmem:v34+s13+$0x0], $0xffff  }
0x194: {  	v6 =	vmax.f32 v6, v10;
	v10 =	vld.idx.msk [tilespmem:v35+s13+$0x0], $0xffff  }
0x195: {  	v60 =	vld.idx.msk [tilespmem:v36+s13+$0x0], $0xffff;
	v6 =	vmax.f32 v6, v59  }
0x196: {  	v6 =	vmax.f32 v6, v7  }
0x197: {  	v6 =	vmax.f32 v6, v8  }
0x198: {  	v6 =	vmax.f32 v6, v9  }
0x199: {  	v6 =	vmax.f32 v6, v10  }
0x19a: {  	v6 =	vmax.f32 v6, v60  }
0x19b: {  	[tilespmem:$0x3400] =	vst v6  }
0x19c: {  	v6 =	vld.idx.msk [tilespmem:v37+s13+$0x0], $0xffff  }
0x19d: {  	v7 =	vld.idx.msk [tilespmem:v38+s13+$0x0], $0xffff  }
0x19e: {  	v8 =	vld.idx.msk [tilespmem:v39+s13+$0x0], $0xffff  }
0x19f: {  	v9 =	vld.idx.msk [tilespmem:v40+s13+$0x0], $0xffff  }
0x1a0: {  	v10 =	vld.idx.msk [tilespmem:v41+s13+$0x0], $0xffff  }
0x1a1: {  	v61 =	vld.idx.msk [tilespmem:v42+s13+$0x0], $0xffff  }
0x1a2: {  	v6 =	vmax.f32 v6, v7;
	v7 =	vld.idx.msk [tilespmem:v43+s13+$0x0], $0xffff  }
0x1a3: {  	v6 =	vmax.f32 v6, v8;
	v8 =	vld.idx.msk [tilespmem:v44+s13+$0x0], $0xffff  }
0x1a4: {  	v6 =	vmax.f32 v6, v9;
	v9 =	vld.idx.msk [tilespmem:v45+s13+$0x0], $0xffff  }
0x1a5: {  	v6 =	vmax.f32 v6, v10;
	v10 =	vld.idx.msk [tilespmem:v46+s13+$0x0], $0xffff  }
0x1a6: {  	v62 =	vld.idx.msk [tilespmem:v47+s13+$0x0], $0xffff;
	v6 =	vmax.f32 v6, v61  }
0x1a7: {  	v6 =	vmax.f32 v6, v7;
	v7 =	vld.idx.msk [tilespmem:v48+s13+$0x0], $0xffff  }
0x1a8: {  	v6 =	vmax.f32 v6, v8;
	v8 =	vld.idx.msk [tilespmem:v49+s13+$0x0], $0xffff  }
0x1a9: {  	v6 =	vmax.f32 v6, v9;
	v9 =	vld.idx.msk [tilespmem:v50+s13+$0x0], $0xffff  }
0x1aa: {  	v6 =	vmax.f32 v6, v10;
	v10 =	vld.idx.msk [tilespmem:v51+s13+$0x0], $0xffff  }
0x1ab: {  	v63 =	vld.idx.msk [tilespmem:v52+s13+$0x0], $0xffff;
	v6 =	vmax.f32 v6, v62  }
0x1ac: {  	v6 =	vmax.f32 v6, v7  }
0x1ad: {  	v6 =	vmax.f32 v6, v8  }
0x1ae: {  	v6 =	vmax.f32 v6, v9  }
0x1af: {  	v6 =	vmax.f32 v6, v10  }
0x1b0: {  	v6 =	vmax.f32 v6, v63  }
0x1b1: {  	[tilespmem:$0x3410] =	vst v6;
	v6 =	vld [tilespmem:$0x3400]  }
0x1b2: {  	v7 =	vld [tilespmem:$0x3410];
	_ =	sdelay $0x4  }
0x1b3: {  	v8 =	vmax.f32 v6, v7  }
0x1b4: {  	(xrf0) =	vmax.scan.msk.f32 $0xffff, v8;
	_ =	sdelay $0x5  }
0x1b5: {  	v8, _, _ =	vpop (xrf0)  }
0x1b6: {  	v8 =	vbroadcast v8, $0xF;
	_ =	sdelay $0x1  }
0x1b7: {  	vm0 =	veq.f32 v6, v8  }
0x1b8: {  	vm1 =	veq.f32 v7, v8;
	v6 =	vmctz.xlane vm0  }
0x1b9: {  	v7 =	vmctz.xlane vm1  }
0x1ba: {  	(v2sf) =	vpush v6, $0x0  }
0x1bb: {  	(v2sf) =	vpush v7, $0x0;
	_ =	sdelay $0xd  }
0x1bc: {  	s24 =	spop (v2sf)  }
0x1bd: {  	s30 =	spop (v2sf)  }
0x1be: {  	p2 =	slt.s32 s24, $0x10;
	s25 =	sadd.s32 $0x10, s30  }
0x1bf: {  	s25 =	smov.u32 @p2 s24  }
0x1c0: {  	s24 =	sshll.u32 s25, $0x4  }
0x1c1: {  	v6 =	vld [tilespmem:s24+$0x3200];
	_ =	sdelay $0x4  }
0x1c2: {  	vm12 =	veq.f32 v6, v8  }
0x1c3: {  	v7 =	vmctz.xlane vm12;
	_ =	sdelay $0x1  }
0x1c4: {  	(v2sf) =	vpush v7, $0x0;
	_ =	sdelay $0xe  }
0x1c5: {  	s26 =	spop (v2sf)  }
0x1c6: {  	s24 =	sadd.s32 s26, s24  }
0x1c7: {  	s26 =	sshll.u32 s24, $0x4  }
0x1c8: {  	v9 =	vld [tilespmem:s26+$0x0];
	_ =	sdelay $0x4  }
0x1c9: {  	vm13 =	veq.f32 v9, v8  }
0x1ca: {  	v10 =	vmctz.xlane vm13;
	_ =	sdelay $0x1  }
0x1cb: {  	(v2sf) =	vpush v10, $0x0  }
0x1cc: {  	v10 =	vbroadcast v10, $0x0;
	_ =	sdelay $0x1  }
0x1cd: {  	vm14 =	veq.s32 v10, v0  }
0x1ce: {  	v9 =	vsel vm14, $0xFF800000, v9  }
0x1cf: {  	(xrf0) =	vmax.scan.msk.f32 $0xffff, v9;
	_ =	sdelay $0x5  }
0x1d0: {  	v7 =	vbroadcast v7, $0x0;
	v9, _, _ =	vpop (xrf0)  }
0x1d1: {  	v53 =	vbroadcast v9, $0xF  }
0x1d2: {  	vm15 =	veq.s32 v7, v0  }
0x1d3: {  	v6 =	vsel vm15, v53, v6  }
0x1d4: {  	v7 =	vmov s29;
	(xrf0) =	vmax.scan.msk.f32 $0xffff, v6;
	s31 =	spop (v2sf)  }
0x1d5: {  	s23 =	sadd.s32 s31, s26  }
0x1d6: {  	v6 =	vmov s23  }
0x1d7: {  	v54 =	vmov s24  }
0x1d8: {  	v55 =	vmov s25;
	s23 =	sadd.s32 s1, s23  }
0x1d9: {  	[tilespmem:v7+s14+$0x0] =	vst.idx.msk $0x1, v8;
	v8 =	vmov s23  }
0x1da: {  	[tilespmem:v7+s15+$0x0] =	vst.idx.msk $0x1, v8;
	v7, _, _ =	vpop (xrf0)  }
0x1db: {  	s23 =	simm.s32 $0x1;
	v56 =	vbroadcast v7, $0xF;
	[tilespmem:v6+s5+$0x0] =	vst.idx.msk $0x1, v4  }
.LBB2_7:
0x1dc: {  	p2 =	sne.s32 s23, $0x20;
	[tilespmem:v54+s13+$0x0] =	vst.idx.msk $0x1, v53;
	s24 =	smov.u32 s23;
	s23 =	sadd.s32 $0x1, s23  }
0x1dd: {  	[tilespmem:v55+s16+$0x0] =	vst.idx.msk $0x1, v56  }
0x1de: {  	v6 =	vld [tilespmem:$0x3400]  }
0x1df: {  	v7 =	vld [tilespmem:$0x3410];
	_ =	sdelay $0x4  }
0x1e0: {  	v8 =	vmax.f32 v6, v7  }
0x1e1: {  	(xrf0) =	vmax.scan.msk.f32 $0xffff, v8;
	_ =	sdelay $0x5  }
0x1e2: {  	v8, _, _ =	vpop (xrf0)  }
0x1e3: {  	v8 =	vbroadcast v8, $0xF;
	_ =	sdelay $0x1  }
0x1e4: {  	vm0 =	veq.f32 v6, v8;
	vm1 =	veq.f32 v7, v8  }
0x1e5: {  	v6 =	vmctz.xlane vm0;
	v7 =	vmctz.xlane vm1;
	_ =	sdelay $0x1  }
0x1e6: {  	(v2sf) =	vpush v6, $0x0  }
0x1e7: {  	(v2sf) =	vpush v7, $0x0;
	_ =	sdelay $0xd  }
0x1e8: {  	s26 =	spop (v2sf)  }
0x1e9: {  	p3 =	slt.s32 s26, $0x10;
	s25 =	spop (v2sf)  }
0x1ea: {  	s25 =	sadd.s32 $0x10, s25  }
0x1eb: {  	s25 =	smov.u32 @p3 s26  }
0x1ec: {  	s26 =	sshll.u32 s25, $0x4  }
0x1ed: {  	v6 =	vld [tilespmem:s26+$0x3200];
	_ =	sdelay $0x4  }
0x1ee: {  	vm0 =	veq.f32 v6, v8  }
0x1ef: {  	v7 =	vmctz.xlane vm0;
	_ =	sdelay $0x1  }
0x1f0: {  	v9 =	vbroadcast v7, $0x0;
	(v2sf) =	vpush v7, $0x0;
	_ =	sdelay $0xd  }
0x1f1: {  	v7 =	vmov s24  }
0x1f2: {  	s24 =	spop (v2sf)  }
0x1f3: {  	s24 =	sadd.s32 s24, s26  }
0x1f4: {  	s26 =	sshll.u32 s24, $0x4  }
0x1f5: {  	v10 =	vld [tilespmem:s26+$0x0]  }
0x1f6: {  	[tilespmem:v7+s14+$0x0] =	vst.idx.msk $0x1, v8;
	_ =	sdelay $0x3  }
0x1f7: {  	vm0 =	veq.f32 v10, v8  }
0x1f8: {  	v8 =	vmctz.xlane vm0;
	_ =	sdelay $0x1  }
0x1f9: {  	v53 =	vbroadcast v8, $0x0;
	(v2sf) =	vpush v8, $0x0;
	_ =	sdelay $0x1  }
0x1fa: {  	vm0 =	veq.s32 v53, v0  }
0x1fb: {  	v8 =	vsel vm0, $0xFF800000, v10  }
0x1fc: {  	(xrf0) =	vmax.scan.msk.f32 $0xffff, v8;
	_ =	sdelay $0x5  }
0x1fd: {  	v8, _, _ =	vpop (xrf0)  }
0x1fe: {  	v53 =	vbroadcast v8, $0xF  }
0x1ff: {  	vm0 =	veq.s32 v9, v0  }
0x200: {  	v6 =	vsel vm0, v53, v6  }
0x201: {  	(xrf0) =	vmax.scan.msk.f32 $0xffff, v6  }
0x202: {  	s28 =	spop (v2sf)  }
0x203: {  	s26 =	sadd.s32 s28, s26  }
0x204: {  	v54 =	vmov s24;
	s28 =	sadd.s32 s1, s26;
	v6 =	vmov s26  }
.Ltmp5:
0x205: {  	v55 =	vmov s25;
	v8 =	vmov s28;
	(pc) =	sbr.rel @p2 .LBB2_7-.Ltmp5, $4  }
0x206: {  	[tilespmem:v7+s15+$0x0] =	vst.idx.msk $0x1, v8  }
0x207: {  	v7, _, _ =	vpop (xrf0)  }
0x208: {  	v56 =	vbroadcast v7, $0xF  }
0x209: {  	[tilespmem:v6+s5+$0x0] =	vst.idx.msk $0x1, v4  }
0x20a: {  	_ =	sdelay $0x3  }
0x20b: {  	[tilespmem:v54+s13+$0x0] =	vst.idx.msk $0x1, v53  }
0x20c: {  	[tilespmem:v55+s16+$0x0] =	vst.idx.msk $0x1, v56  }
0x20d: {  	[spmem:s7] =	stream.linear.scatter [tilespmem:s14], [sflag:$0x1], $0x30, $0x38;
	[tilespmem:$0x3D60] =	vst v63  }
0x20e: {  	_ = 	snop  }
0x20f: {  	[spmem:s8] =	stream.linear.scatter [tilespmem:s15], [sflag:$0x1], $0x30, $0x38;
	[tilespmem:$0x3D60] =	vst v63  }
0x210: {  	_ =	swait.ge [sflag:s12], $0x30  }
0x211: {  	[sflag:s12] =	ssyncset.done $0x0  }
0x212: {  	[sflag:s12] =	ssyncadd.s32 $0xFFFFFFD0  }
0x213: {  	_ =	swait.ge [sflag:s12], $0x30  }
0x214: {  	[sflag:s12] =	ssyncset.done $0x0  }
0x215: {  	[sflag:s12] =	ssyncadd.s32 $0xFFFFFFD0  }
0x216: {  	[bflag:$0x0] =	sbarrier.arrive $0xFFFF  }
0x217: {  	[tilespmem:s17], [sflag:$0x1] =	stream.linear.gather [spmem:s2], $0x300, $0x38;
	[tilespmem:$0x3D60] =	vst v63  }
0x218: {  	_ = 	snop  }
0x219: {  	[tilespmem:s18], [sflag:$0x1] =	stream.linear.gather [spmem:s4], $0x300, $0x38;
	[tilespmem:$0x3D60] =	vst v63  }
0x21a: {  	[tilespmem:$0x3B80] =	vst v4  }
0x21b: {  	[tilespmem:$0x3B90] =	vst v4  }
0x21c: {  	[tilespmem:$0x3BA0] =	vst v4  }
0x21d: {  	[tilespmem:$0x3BB0] =	vst v4  }
0x21e: {  	[tilespmem:$0x3BC0] =	vst v4  }
0x21f: {  	[tilespmem:$0x3BD0] =	vst v4  }
0x220: {  	[tilespmem:$0x3BE0] =	vst v4  }
0x221: {  	[tilespmem:$0x3BF0] =	vst v4  }
0x222: {  	[tilespmem:$0x3C00] =	vst v4  }
0x223: {  	[tilespmem:$0x3C10] =	vst v4  }
0x224: {  	[tilespmem:$0x3C20] =	vst v4  }
0x225: {  	[tilespmem:$0x3C30] =	vst v4  }
0x226: {  	[tilespmem:$0x3C40] =	vst v4  }
0x227: {  	[tilespmem:$0x3C50] =	vst v4  }
0x228: {  	s23 =	simm.s32 $0x0;
	[tilespmem:$0x3C60] =	vst v4  }
0x229: {  	v6 =	vmov s23;
	[tilespmem:$0x3C70] =	vst v4  }
0x22a: {  	v6 =	vshll.u32 v6, $0x4;
	_ =	swait.ge [sflag:s12], $0x300  }
0x22b: {  	v6 =	vor.u32 v1, v6;
	[sflag:s12] =	ssyncset.done $0x0  }
0x22c: {  	v7 =	vor.u32 $0x1, v6;
	[sflag:s12] =	ssyncadd.s32 $0xFFFFFD00  }
0x22d: {  	v8 =	vor.u32 $0x2, v6;
	_ =	swait.ge [sflag:s12], $0x300  }
0x22e: {  	v9 =	vor.u32 $0x3, v6;
	[sflag:s12] =	ssyncset.done $0x0  }
0x22f: {  	v10 =	vor.u32 $0x4, v6;
	[sflag:s12] =	ssyncadd.s32 $0xFFFFFD00  }
0x230: {  	v61 =	vor.u32 $0x5, v6;
	v54 =	vld.idx.msk [tilespmem:v6+s17+$0x0], $0xffff  }
0x231: {  	v55 =	vor.u32 $0x6, v6;
	v7 =	vld.idx.msk [tilespmem:v7+s17+$0x0], $0xffff  }
0x232: {  	v56 =	vor.u32 $0x7, v6;
	v8 =	vld.idx.msk [tilespmem:v8+s17+$0x0], $0xffff  }
0x233: {  	v57 =	vor.u32 $0x8, v6;
	v9 =	vld.idx.msk [tilespmem:v9+s17+$0x0], $0xffff  }
0x234: {  	v58 =	vor.u32 $0x9, v6;
	v10 =	vld.idx.msk [tilespmem:v10+s17+$0x0], $0xffff  }
0x235: {  	v59 =	vor.u32 $0xA, v6;
	v53 =	vld.idx.msk [tilespmem:v61+s17+$0x0], $0xffff  }
0x236: {  	v60 =	vor.u32 $0xB, v6;
	v55 =	vld.idx.msk [tilespmem:v55+s17+$0x0], $0xffff;
	v7 =	vmax.f32 v54, v7  }
0x237: {  	v62 =	vor.u32 $0xC, v6;
	v56 =	vld.idx.msk [tilespmem:v56+s17+$0x0], $0xffff;
	v7 =	vmax.f32 v7, v8  }
0x238: {  	v57 =	vld.idx.msk [tilespmem:v57+s17+$0x0], $0xffff;
	v8 =	vor.u32 $0xD, v6;
	v7 =	vmax.f32 v7, v9  }
0x239: {  	v58 =	vld.idx.msk [tilespmem:v58+s17+$0x0], $0xffff;
	v9 =	vor.u32 $0xE, v6;
	v7 =	vmax.f32 v7, v10  }
0x23a: {  	v6 =	vor.u32 $0xF, v6;
	v10 =	vld.idx.msk [tilespmem:v59+s17+$0x0], $0xffff;
	v7 =	vmax.f32 v7, v53  }
0x23b: {  	v63 =	vld.idx.msk [tilespmem:v60+s17+$0x0], $0xffff;
	v7 =	vmax.f32 v7, v55  }
0x23c: {  	v54 =	vld.idx.msk [tilespmem:v62+s17+$0x0], $0xffff;
	v7 =	vmax.f32 v7, v56  }
0x23d: {  	v8 =	vld.idx.msk [tilespmem:v8+s17+$0x0], $0xffff;
	v7 =	vmax.f32 v7, v57  }
0x23e: {  	v9 =	vld.idx.msk [tilespmem:v9+s17+$0x0], $0xffff;
	v7 =	vmax.f32 v7, v58  }
0x23f: {  	v6 =	vld.idx.msk [tilespmem:v6+s17+$0x0], $0xffff;
	v7 =	vmax.f32 v7, v10  }
0x240: {  	v7 =	vmax.f32 v7, v63  }
0x241: {  	v7 =	vmax.f32 v7, v54  }
0x242: {  	v7 =	vmax.f32 v7, v8  }
0x243: {  	v7 =	vmax.f32 v7, v9  }
0x244: {  	s24 =	simm.s32 $0x10;
	s23 =	simm.s32 $0x3B80;
	v53 =	vmax.f32 v7, v6  }
.LBB2_9:
0x245: {  	p2 =	sne.s32 s24, $0x20  }
0x246: {  	[tilespmem:s23+$0x0] =	vst v53;
	s23 =	sadd.s32 $0x10, s23;
	s25 =	smov.u32 s24;
	s24 =	sadd.s32 $0x10, s24  }
0x247: {  	v6 =	vmov s25  }
0x248: {  	v6 =	vshll.u32 v6, $0x4  }
0x249: {  	v6 =	vor.u32 v1, v6  }
0x24a: {  	v7 =	vor.u32 $0x1, v6;
	v8 =	vor.u32 $0x2, v6;
	v9 =	vor.u32 $0x3, v6  }
0x24b: {  	v10 =	vor.u32 $0x4, v6;
	v53 =	vor.u32 $0x5, v6;
	v54 =	vor.u32 $0x6, v6  }
0x24c: {  	v55 =	vor.u32 $0x7, v6;
	v56 =	vor.u32 $0x8, v6;
	v57 =	vor.u32 $0x9, v6  }
0x24d: {  	v58 =	vor.u32 $0xA, v6;
	v59 =	vor.u32 $0xB, v6;
	v60 =	vor.u32 $0xC, v6  }
0x24e: {  	v62 =	vor.u32 $0xD, v6;
	v63 =	vor.u32 $0xE, v6;
	v61 =	vld.idx.msk [tilespmem:v6+s17+$0x0], $0xffff;
	v6 =	vor.u32 $0xF, v6  }
0x24f: {  	v7 =	vld.idx.msk [tilespmem:v7+s17+$0x0], $0xffff  }
0x250: {  	v8 =	vld.idx.msk [tilespmem:v8+s17+$0x0], $0xffff  }
0x251: {  	v9 =	vld.idx.msk [tilespmem:v9+s17+$0x0], $0xffff  }
0x252: {  	v10 =	vld.idx.msk [tilespmem:v10+s17+$0x0], $0xffff  }
0x253: {  	v53 =	vld.idx.msk [tilespmem:v53+s17+$0x0], $0xffff  }
0x254: {  	v54 =	vld.idx.msk [tilespmem:v54+s17+$0x0], $0xffff  }
0x255: {  	v7 =	vmax.f32 v61, v7;
	v55 =	vld.idx.msk [tilespmem:v55+s17+$0x0], $0xffff  }
0x256: {  	v7 =	vmax.f32 v7, v8;
	v8 =	vld.idx.msk [tilespmem:v56+s17+$0x0], $0xffff  }
0x257: {  	v7 =	vmax.f32 v7, v9;
	v9 =	vld.idx.msk [tilespmem:v57+s17+$0x0], $0xffff  }
0x258: {  	v7 =	vmax.f32 v7, v10;
	v10 =	vld.idx.msk [tilespmem:v58+s17+$0x0], $0xffff  }
0x259: {  	v7 =	vmax.f32 v7, v53;
	v53 =	vld.idx.msk [tilespmem:v59+s17+$0x0], $0xffff  }
0x25a: {  	v7 =	vmax.f32 v7, v54;
	v54 =	vld.idx.msk [tilespmem:v60+s17+$0x0], $0xffff  }
0x25b: {  	v7 =	vmax.f32 v7, v55;
	v55 =	vld.idx.msk [tilespmem:v62+s17+$0x0], $0xffff  }
0x25c: {  	v7 =	vmax.f32 v7, v8;
	v8 =	vld.idx.msk [tilespmem:v63+s17+$0x0], $0xffff  }
0x25d: {  	v7 =	vmax.f32 v7, v9;
	v6 =	vld.idx.msk [tilespmem:v6+s17+$0x0], $0xffff  }
0x25e: {  	v7 =	vmax.f32 v7, v10  }
.Ltmp6:
0x25f: {  	v7 =	vmax.f32 v7, v53;
	(pc) =	sbr.rel @p2 .LBB2_9-.Ltmp6, $4  }
0x260: {  	v7 =	vmax.f32 v7, v54  }
0x261: {  	v7 =	vmax.f32 v7, v55  }
0x262: {  	v7 =	vmax.f32 v7, v8  }
0x263: {  	v53 =	vmax.f32 v7, v6  }
0x264: {  	_ =	sdelay $0x2  }
0x265: {  	[tilespmem:s23+$0x0] =	vst v53  }
0x266: {  	v6 =	vld.idx.msk [tilespmem:v1+s19+$0x0], $0xffff  }
0x267: {  	v7 =	vld.idx.msk [tilespmem:v22+s19+$0x0], $0xffff  }
0x268: {  	v8 =	vld.idx.msk [tilespmem:v23+s19+$0x0], $0xffff  }
0x269: {  	v9 =	vld.idx.msk [tilespmem:v24+s19+$0x0], $0xffff  }
0x26a: {  	v10 =	vld.idx.msk [tilespmem:v25+s19+$0x0], $0xffff  }
0x26b: {  	v53 =	vld.idx.msk [tilespmem:v26+s19+$0x0], $0xffff  }
0x26c: {  	v6 =	vmax.f32 v6, v7;
	v7 =	vld.idx.msk [tilespmem:v27+s19+$0x0], $0xffff  }
0x26d: {  	v6 =	vmax.f32 v6, v8;
	v8 =	vld.idx.msk [tilespmem:v28+s19+$0x0], $0xffff  }
0x26e: {  	v6 =	vmax.f32 v6, v9;
	v9 =	vld.idx.msk [tilespmem:v29+s19+$0x0], $0xffff  }
0x26f: {  	v6 =	vmax.f32 v6, v10;
	v10 =	vld.idx.msk [tilespmem:v30+s19+$0x0], $0xffff  }
0x270: {  	v60 =	vld.idx.msk [tilespmem:v31+s19+$0x0], $0xffff;
	v6 =	vmax.f32 v6, v53  }
0x271: {  	v6 =	vmax.f32 v6, v7;
	v7 =	vld.idx.msk [tilespmem:v32+s19+$0x0], $0xffff  }
0x272: {  	v6 =	vmax.f32 v6, v8;
	v8 =	vld.idx.msk [tilespmem:v33+s19+$0x0], $0xffff  }
0x273: {  	v6 =	vmax.f32 v6, v9;
	v9 =	vld.idx.msk [tilespmem:v34+s19+$0x0], $0xffff  }
0x274: {  	v6 =	vmax.f32 v6, v10;
	v10 =	vld.idx.msk [tilespmem:v35+s19+$0x0], $0xffff  }
0x275: {  	v61 =	vld.idx.msk [tilespmem:v36+s19+$0x0], $0xffff;
	v6 =	vmax.f32 v6, v60  }
0x276: {  	v6 =	vmax.f32 v6, v7  }
0x277: {  	v6 =	vmax.f32 v6, v8  }
0x278: {  	v6 =	vmax.f32 v6, v9  }
0x279: {  	v6 =	vmax.f32 v6, v10  }
0x27a: {  	v6 =	vmax.f32 v6, v61  }
0x27b: {  	[tilespmem:$0x3C80] =	vst v6  }
0x27c: {  	v6 =	vld [tilespmem:$0x3C80];
	_ =	sdelay $0x4  }
0x27d: {  	(xrf0) =	vmax.scan.msk.f32 $0xffff, v6;
	_ =	sdelay $0x5  }
0x27e: {  	v7, _, _ =	vpop (xrf0)  }
0x27f: {  	v7 =	vbroadcast v7, $0xF;
	_ =	sdelay $0x1  }
0x280: {  	vm0 =	veq.f32 v6, v7  }
0x281: {  	v6 =	vmctz.xlane vm0;
	_ =	sdelay $0x1  }
0x282: {  	(v2sf) =	vpush v6, $0x0;
	_ =	sdelay $0xe  }
0x283: {  	s31 =	spop (v2sf)  }
0x284: {  	s23 =	sshll.u32 s31, $0x4  }
0x285: {  	v8 =	vld [tilespmem:s23+$0x3B80];
	_ =	sdelay $0x4  }
0x286: {  	vm12 =	veq.f32 v8, v7  }
0x287: {  	v9 =	vmctz.xlane vm12;
	_ =	sdelay $0x1  }
0x288: {  	(v2sf) =	vpush v9, $0x0;
	_ =	sdelay $0xe  }
0x289: {  	s24 =	spop (v2sf)  }
0x28a: {  	s23 =	sadd.s32 s23, s24  }
0x28b: {  	s24 =	sshll.u32 s23, $0x4  }
0x28c: {  	v10 =	vld [tilespmem:s24+$0x3580];
	_ =	sdelay $0x4  }
0x28d: {  	vm13 =	veq.f32 v10, v7  }
0x28e: {  	v62 =	vmctz.xlane vm13;
	_ =	sdelay $0x1  }
0x28f: {  	(v2sf) =	vpush v62, $0x0;
	_ =	sdelay $0x6  }
0x290: {  	v53 =	vbroadcast v62, $0x0;
	_ =	sdelay $0x1  }
0x291: {  	vm14 =	veq.s32 v53, v0  }
0x292: {  	v10 =	vsel vm14, $0xFF800000, v10  }
0x293: {  	(xrf0) =	vmax.scan.msk.f32 $0xffff, v10;
	_ =	sdelay $0x2  }
0x294: {  	s25 =	simm.s32 $0x0  }
0x295: {  	v10 =	vmov s25;
	s26 =	spop (v2sf)  }
0x296: {  	s24 =	sadd.s32 s26, s24  }
0x297: {  	v9 =	vbroadcast v9, $0x0;
	v54, _, _ =	vpop (xrf0);
	v63 =	vmov s24  }
0x298: {  	v55 =	vbroadcast v54, $0xF  }
0x299: {  	vm15 =	veq.s32 v9, v0  }
0x29a: {  	[tilespmem:v10+s14+$0x0] =	vst.idx.msk $0x1, v7;
	v7 =	vsel vm15, v55, v8  }
0x29b: {  	(xrf0) =	vmax.scan.msk.f32 $0xffff, v7  }
0x29c: {  	v8 =	vld.idx.msk [tilespmem:v63+s18+$0x0], $0xffff;
	_ =	sdelay $0x1  }
0x29d: {  	v53 =	vbroadcast v6, $0x0;
	v7 =	vmov s23;
	_ =	sdelay $0x2  }
0x29e: {  	[tilespmem:v10+s15+$0x0] =	vst.idx.msk $0x1, v8;
	v8, _, _ =	vpop (xrf0)  }
0x29f: {  	[tilespmem:v63+s17+$0x0] =	vst.idx.msk $0x1, v4;
	v54 =	vbroadcast v8, $0xF  }
0x2a0: {  	s23 =	simm.s32 $0x1;
	[tilespmem:v7+s19+$0x0] =	vst.idx.msk $0x1, v55  }
.LBB2_11:
0x2a1: {  	p2 =	sne.s32 s23, $0x20;
	[tilespmem:v53+s20+$0x0] =	vst.idx.msk $0x1, v54;
	s24 =	smov.u32 s23;
	s23 =	sadd.s32 $0x1, s23  }
0x2a2: {  	v6 =	vld [tilespmem:$0x3C80];
	_ =	sdelay $0x4  }
0x2a3: {  	(xrf0) =	vmax.scan.msk.f32 $0xffff, v6;
	_ =	sdelay $0x5  }
0x2a4: {  	v7, _, _ =	vpop (xrf0)  }
0x2a5: {  	v7 =	vbroadcast v7, $0xF;
	_ =	sdelay $0x1  }
0x2a6: {  	vm0 =	veq.f32 v6, v7  }
0x2a7: {  	v6 =	vmctz.xlane vm0;
	_ =	sdelay $0x1  }
0x2a8: {  	(v2sf) =	vpush v6, $0x0;
	_ =	sdelay $0xe  }
0x2a9: {  	s25 =	spop (v2sf)  }
0x2aa: {  	s25 =	sshll.u32 s25, $0x4  }
0x2ab: {  	v8 =	vld [tilespmem:s25+$0x3B80];
	_ =	sdelay $0x4  }
0x2ac: {  	vm0 =	veq.f32 v8, v7  }
0x2ad: {  	v9 =	vmctz.xlane vm0;
	_ =	sdelay $0x1  }
0x2ae: {  	v10 =	vbroadcast v9, $0x0;
	(v2sf) =	vpush v9, $0x0;
	_ =	sdelay $0xe  }
0x2af: {  	s26 =	spop (v2sf)  }
0x2b0: {  	s25 =	sadd.s32 s25, s26  }
0x2b1: {  	s26 =	sshll.u32 s25, $0x4  }
0x2b2: {  	v9 =	vld [tilespmem:s26+$0x3580];
	_ =	sdelay $0x4  }
0x2b3: {  	vm0 =	veq.f32 v9, v7  }
0x2b4: {  	v53 =	vmctz.xlane vm0;
	_ =	sdelay $0x1  }
0x2b5: {  	v54 =	vbroadcast v53, $0x0;
	(v2sf) =	vpush v53, $0x0;
	_ =	sdelay $0x1  }
0x2b6: {  	vm0 =	veq.s32 v54, v0  }
0x2b7: {  	v9 =	vsel vm0, $0xFF800000, v9  }
0x2b8: {  	(xrf0) =	vmax.scan.msk.f32 $0xffff, v9;
	_ =	sdelay $0x5  }
0x2b9: {  	v9, _, _ =	vpop (xrf0);
	_ =	sdelay $0x4  }
0x2ba: {  	s28 =	spop (v2sf)  }
0x2bb: {  	v54 =	vmov s24;
	s26 =	sadd.s32 s28, s26  }
0x2bc: {  	v55 =	vmov s26;
	_ =	sdelay $0x1  }
0x2bd: {  	v9 =	vbroadcast v9, $0xF  }
0x2be: {  	vm0 =	veq.s32 v10, v0  }
0x2bf: {  	[tilespmem:v54+s14+$0x0] =	vst.idx.msk $0x1, v7;
	v7 =	vsel vm0, v9, v8  }
0x2c0: {  	v8 =	vld.idx.msk [tilespmem:v55+s18+$0x0], $0xffff;
	(xrf0) =	vmax.scan.msk.f32 $0xffff, v7;
	_ =	sdelay $0x2  }
0x2c1: {  	v53 =	vbroadcast v6, $0x0;
	v7 =	vmov s25  }
.Ltmp7:
0x2c2: {  	(pc) =	sbr.rel @p2 .LBB2_11-.Ltmp7, $4  }
0x2c3: {  	_ = 	snop  }
0x2c4: {  	[tilespmem:v54+s15+$0x0] =	vst.idx.msk $0x1, v8;
	v6, _, _ =	vpop (xrf0)  }
0x2c5: {  	[tilespmem:v55+s17+$0x0] =	vst.idx.msk $0x1, v4;
	v54 =	vbroadcast v6, $0xF  }
0x2c6: {  	[tilespmem:v7+s19+$0x0] =	vst.idx.msk $0x1, v9  }
0x2c7: {  	_ =	sdelay $0x3  }
0x2c8: {  	[tilespmem:v53+s20+$0x0] =	vst.idx.msk $0x1, v54  }
0x2c9: {  	v6 =	vld [tilespmem:$0x3480]  }
0x2ca: {  	v7 =	vld [tilespmem:$0x34A0];
	_ =	sdelay $0x3  }
0x2cb: {  	(v2sf) =	vpush v6, $0x0  }
0x2cc: {  	(v2sf) =	vpush v7, $0x0;
	_ =	sdelay $0xd  }
0x2cd: {  	s23 =	spop (v2sf)  }
0x2ce: {  	s24 =	spop (v2sf)  }
0x2cf: {  	s23 =	ssub.f32 s23, s24;
	_ =	sdelay $0x1  }
0x2d0: {  	v9 =	vld [tilespmem:$0x3500];
	v8 =	vmov s23  }
0x2d1: {  	(erf) = vrcp.f32 v8;
	_ =	sdelay $0x3  }
0x2d2: {  	v8 =	vsub.s32 v9, v2  }
0x2d3: {  	vm0 =	vgt.s32 v8, $0x0  }
0x2d4: {  	v7 =	vbroadcast v7, $0x0;
	vm1 =	vlt.u32 v8, $0x1880;
	v8 =	vnsel vm0, $0x0, v8  }
0x2d5: {  	v8 =	vmin.u32 v8, $0x187F  }
0x2d6: {  	v6 =	vsub.f32 v6, v7  }
0x2d7: {  	v9 =	vpop (erf)  }
0x2d8: {  	v6 =	vmul.f32 v9, v6;
	_ =	sdelay $0x1  }
0x2d9: {  	[tilespmem:v8+s21+$0x0] =	vst.idx.msk vm1, v6  }
0x2da: {  	v6 =	vld [tilespmem:$0x3510];
	_ =	sdelay $0x3  }
0x2db: {  	v8 =	vld [tilespmem:$0x3490]  }
0x2dc: {  	v6 =	vsub.s32 v6, v2  }
0x2dd: {  	vm14 =	vgt.s32 v6, $0x0  }
0x2de: {  	vm15 =	vlt.u32 v6, $0x1880;
	v6 =	vnsel vm14, $0x0, v6  }
0x2df: {  	v6 =	vmin.u32 v6, $0x187F  }
0x2e0: {  	v7 =	vsub.f32 v8, v7;
	_ =	sdelay $0x1  }
0x2e1: {  	v7 =	vmul.f32 v9, v7;
	_ =	sdelay $0x1  }
0x2e2: {  	s24 =	simm.s32 @p1 $0x1900;
	s23 =	simm.s32 @p1 $0x0;
	[tilespmem:v6+s21+$0x0] =	vst.idx.msk vm15, v7  }
0x2e3: {  	[hbm4b:s10+s23] =	stream.linear.scatter @p1 [tilespmem:s24], [sflag:$0x2], $0x1720, $0x38;
	[tilespmem:$0x3D60] =	vst v63  }
0x2e4: {  	s23 =	simm.s32 @p1 $0x2  }
0x2e5: {  	_ =	swait.ge @p1 [sflag:s23], $0x1720  }
0x2e6: {  	[sflag:s23] =	ssyncset.done @p1 $0x0  }
0x2e7: {  	s24 =	simm.s32 @!p1 $0x1900;
	[sflag:s23] =	ssyncadd.s32 @p1 $0xFFFFE8E0;
	s23 =	simm.s32 @!p1 $0x0  }
0x2e8: {  	[hbm4b:s9+s23] =	stream.linear.scatter @!p1 [tilespmem:s24], [sflag:$0x2], $0x1880, $0x38;
	[tilespmem:$0x3D60] =	vst v63  }
.Ltmp8:
0x2e9: {  	_ = 	snop;
	(pc) =	sbr.rel .LBB2_14-.Ltmp8, $4  }
0x2ea: {  	s23 =	simm.s32 @!p1 $0x2  }
0x2eb: {  	_ =	swait.ge @!p1 [sflag:s23], $0x1880  }
0x2ec: {  	[sflag:s23] =	ssyncset.done @!p1 $0x0  }
0x2ed: {  	[sflag:s23] =	ssyncadd.s32 @!p1 $0xFFFFE780  }
.LBB2_15:
0x2ee: {  	_ =	sfence.sel $0x180000  }
0x2ef: {  	[bflag:$0x0] =	sbarrier.arrive $0xFFFF  }
0x2f0: {  	p0 =	sne.s32 s0, $0x0;
	_ =	strace $0x90000047  }
0x2f1: {  	s0 =	sadd.s32 @!p0 $0x100000, s3;
	[bflag:$0x2] =	sbarrier.arrive $0xFFFF  }
0x2f2: {  	[sflag:s0] =	ssyncadd.tile.s32 @!p0 $0x1;
	_ =	shalt  }
.Lfunc_end2:
_tile_overlayer_lowered:
.L_overlay_start_2:
0x2f3: {  	(tag) =	ssettag $0x2  }
0x2f4: {  	s0 =	rddreg [dreg:$0x0];
	s2 =	stileid.u32  }
0x2f5: {  	s1 =	rddreg [dreg:$0x1];
	p0 =	sne.s32 s2, $0x0  }
0x2f6: {  	s3 =	rddreg [dreg:$0x2];
	[bflag:$0x3] =	sbarrier.arrive $0xFFFF;
	s2 =	simm.s32 @!p0 $0x1C02  }
0x2f7: {  	[timem:s3], [sflag:s2] =	dma.local @!p0 [hbm:s0], s1  }
0x2f8: {  	s0 =	simm.s32 @!p0 $0x2  }
0x2f9: {  	_ =	swait.ge @!p0 [sflag:s0], s1  }
0x2fa: {  	s1 =	ssub.s32 @!p0 $0x0, s1;
	[sflag:s0] =	ssyncset.done @!p0 $0x0  }
0x2fb: {  	[sflag:s0] =	ssyncadd.s32 @!p0 s1  }
0x2fc: {  	[bflag:$0x3] =	sbarrier.arrive $0xFFFF  }
0x2fd: {  	_ =	shalt  }

</sc_bundles>
